<compile_context>
chip_gen: v7x
topology: tpu7x:2x2x1
jax: 0.10.2.dev20260603
libtpu: 0.0.44.dev20260713+nightly
codegen_flags: <defaults>
</compile_context>

<pallas_src>
import functools

import jax
import jax.numpy as jnp
from jax import lax
from jax.experimental import pallas as pl
from jax.experimental.pallas import tpu as pltpu
from jax.experimental.pallas import tpu_sc as plsc

D = 128
NC = 2
NS = 16
NW = NC * NS
BATCH = 4096
HIST = 50
B_PER_W = BATCH // NW
HALF = B_PER_W // 2
NBUF = 10
NITER = 2 * HIST // NBUF

_MESH = plsc.VectorSubcoreMesh(core_axis_name="c", subcore_axis_name="s")


@functools.partial(
    pl.kernel,
    mesh=_MESH,
    out_type=jax.ShapeDtypeStruct((HIST, BATCH, D), jnp.float32),
    scratch_types=[
        pltpu.VMEM((HIST, B_PER_W), jnp.int32),
        *[pltpu.VMEM((HALF, D), jnp.float32) for _ in range(NBUF)],
        *[pltpu.SemaphoreType.DMA for _ in range(2 * NBUF)],
    ],
)
def _embed_gather(idx_hbm, table_hbm, out_hbm, idx_v, *bufs_and_sems):
    rows = bufs_and_sems[:NBUF]
    gsem = bufs_and_sems[NBUF:2 * NBUF]
    ssem = bufs_and_sems[2 * NBUF:]
    wid = lax.axis_index("s") * NC + lax.axis_index("c")
    b0 = wid * B_PER_W
    pltpu.sync_copy(idx_hbm.at[pl.ds(0, HIST), pl.ds(b0, B_PER_W)], idx_v)

    def gather(r, j):
        h = 5 * r + j // 2
        sub = (j % 2) * HALF
        pltpu.async_copy(
            table_hbm.at[idx_v.at[h, pl.ds(sub, HALF)]], rows[j], gsem[j])

    def wait_gather(r, j):
        h = 5 * r + j // 2
        sub = (j % 2) * HALF
        pltpu.make_async_copy(
            table_hbm.at[idx_v.at[h, pl.ds(sub, HALF)]], rows[j],
            gsem[j]).wait()

    def store(r, j):
        h = 5 * r + j // 2
        sub = (j % 2) * HALF
        pltpu.async_copy(
            rows[j], out_hbm.at[h, pl.ds(b0 + sub, HALF)], ssem[j])

    def wait_store(j):
        pltpu.make_async_copy(
            rows[j], out_hbm.at[0, pl.ds(b0, HALF)], ssem[j]).wait()

    LAG = 7

    def gather_c(c, j):
        h = c // 2
        sub = (c % 2) * HALF
        pltpu.async_copy(
            table_hbm.at[idx_v.at[h, pl.ds(sub, HALF)]], rows[j], gsem[j])

    for j in range(LAG):
        gather(0, j)

    def body(r, carry):
        for j in range(NBUF):
            c = NBUF * r + j
            wait_gather(r, j)
            store(r, j)
            if j < NBUF - LAG:
                t = j + LAG
                @pl.when(r > 0)
                def _():
                    wait_store(t)
                gather_c(c + LAG, t)
            else:
                t = j - (NBUF - LAG)

                @pl.when(r < NITER - 1)
                def _():
                    wait_store(t)
                    gather_c(c + LAG, t)

        return carry

    lax.fori_loop(0, NITER, body, 0)

    for j in range(NBUF):
        wait_store(j)


def kernel(input, table):
    out = _embed_gather(input.T.astype(jnp.int32), table)
    return out.transpose(1, 0, 2)

# --- scband reference (transcript-rebuilt; emitter-appended) ---
"""Pipeline reference for scband-word-embedding-49125835931995 (READ-ONLY COPY).

The authoritative reference and input builder live on the scoring server;
editing this copy changes nothing except your own understanding.
"""

import jax, jax.numpy as jnp
import numpy as np

D_MODEL = 100000  # note: module passes nn.Embedding(d_model, vocab_size), so num_embeddings = d_model
VOCAB_SIZE = 128  # acts as embedding_dim due to swapped-arg quirk in the module
BATCH = 4096
HIST = 50

def setup_inputs(seed: int = 0) -> dict:
    key = jax.random.key(seed)
    k1, k2 = jax.random.split(key)
    indices = jax.random.randint(k1, (BATCH, HIST), 0, D_MODEL, dtype=jnp.int64 if jax.config.jax_enable_x64 else jnp.int32)
    # Embedding table sized [num_embeddings=d_model, embedding_dim=vocab_size], matching nn.Embedding(d_model, vocab_size)
    table = jax.random.normal(k2, (D_MODEL, VOCAB_SIZE), dtype=jnp.float32)
    return {"input": indices, "table": table}

def reference(input, table):
    # Faithful translation of forward: self.embedding(input) -> table gather
    return jnp.take(table, input, axis=0)

if __name__ == "__main__":
    import jax
    _d = setup_inputs()
    print(jax.jit(kernel)(*tuple(_d.values())))

</pallas_src>

<mosaic_0001>
#map = affine_map<(d0, d1) -> (0, 0)>
#map1 = affine_map<(d0, d1) -> (0, 0, 0)>
module attributes {stable_mosaic.version = 14 : i64} {
  func.func @_embed_gather(%arg0: i32, %arg1: i32, %arg2: memref<50x4096xi32, #tpu.memory_space<hbm>>, %arg3: memref<100000x128xf32, #tpu.memory_space<hbm>>, %arg4: memref<50x4096x128xf32, #tpu.memory_space<hbm>>, %arg5: memref<50x128xi32, #tpu.memory_space<vmem>>, %arg6: memref<64x128xf32, #tpu.memory_space<vmem>>, %arg7: memref<64x128xf32, #tpu.memory_space<vmem>>, %arg8: memref<64x128xf32, #tpu.memory_space<vmem>>, %arg9: memref<64x128xf32, #tpu.memory_space<vmem>>, %arg10: memref<64x128xf32, #tpu.memory_space<vmem>>, %arg11: memref<64x128xf32, #tpu.memory_space<vmem>>, %arg12: memref<64x128xf32, #tpu.memory_space<vmem>>, %arg13: memref<64x128xf32, #tpu.memory_space<vmem>>, %arg14: memref<64x128xf32, #tpu.memory_space<vmem>>, %arg15: memref<64x128xf32, #tpu.memory_space<vmem>>, %arg16: memref<!tpu.dma_semaphore, #tpu.memory_space<semaphore_mem>>, %arg17: memref<!tpu.dma_semaphore, #tpu.memory_space<semaphore_mem>>, %arg18: memref<!tpu.dma_semaphore, #tpu.memory_space<semaphore_mem>>, %arg19: memref<!tpu.dma_semaphore, #tpu.memory_space<semaphore_mem>>, %arg20: memref<!tpu.dma_semaphore, #tpu.memory_space<semaphore_mem>>, %arg21: memref<!tpu.dma_semaphore, #tpu.memory_space<semaphore_mem>>, %arg22: memref<!tpu.dma_semaphore, #tpu.memory_space<semaphore_mem>>, %arg23: memref<!tpu.dma_semaphore, #tpu.memory_space<semaphore_mem>>, %arg24: memref<!tpu.dma_semaphore, #tpu.memory_space<semaphore_mem>>, %arg25: memref<!tpu.dma_semaphore, #tpu.memory_space<semaphore_mem>>, %arg26: memref<!tpu.dma_semaphore, #tpu.memory_space<semaphore_mem>>, %arg27: memref<!tpu.dma_semaphore, #tpu.memory_space<semaphore_mem>>, %arg28: memref<!tpu.dma_semaphore, #tpu.memory_space<semaphore_mem>>, %arg29: memref<!tpu.dma_semaphore, #tpu.memory_space<semaphore_mem>>, %arg30: memref<!tpu.dma_semaphore, #tpu.memory_space<semaphore_mem>>, %arg31: memref<!tpu.dma_semaphore, #tpu.memory_space<semaphore_mem>>, %arg32: memref<!tpu.dma_semaphore, #tpu.memory_space<semaphore_mem>>, %arg33: memref<!tpu.dma_semaphore, #tpu.memory_space<semaphore_mem>>, %arg34: memref<!tpu.dma_semaphore, #tpu.memory_space<semaphore_mem>>, %arg35: memref<!tpu.dma_semaphore, #tpu.memory_space<semaphore_mem>>) attributes {dimension_semantics = [#tpu.dimension_semantics<core_parallel>, #tpu.dimension_semantics<subcore_parallel>], iteration_bounds = array<i64: 2, 16>, scalar_prefetch = 0 : i64, scratch_operands = 31 : i64, tpu.core_type = #tpu.core_type<sc_vector_subcore>, window_params = [{transform_indices = #map}, {transform_indices = #map}, {transform_indices = #map1}]} {
    %mul3A = arith.constant 2 : i32
    %mul3A_0 = arith.muli %arg1, %mul3A : i32
    %add3A = arith.addi %mul3A_0, %arg0 : i32
    %mul3A_1 = arith.constant 128 : i32
    %mul3A_2 = arith.muli %add3A, %mul3A_1 : i32
    "tpu.region"() ({
      %run_scoped3A = tpu.sem_alloc : memref<!tpu.dma_semaphore, #tpu.memory_space<semaphore_mem>>
      %dma_start3A_125 = arith.constant 0 : i32
      %dma_start3A_126 = tpu.memref_slice %arg2[%dma_start3A_125, %mul3A_2] : memref<50x4096xi32, #tpu.memory_space<hbm>> -> memref<50x128xi32, #tpu.memory_space<hbm>>
      %dma_start3A_127 = arith.constant 0 : i32
      %dma_start3A_128 = tpu.memref_slice %arg2[%dma_start3A_127, %mul3A_2] : memref<50x4096xi32, #tpu.memory_space<hbm>> -> memref<50x128xi32, #tpu.memory_space<hbm>>
      tpu.enqueue_dma source(%dma_start3A_128 : memref<50x128xi32, #tpu.memory_space<hbm>>) target(%arg5 : memref<50x128xi32, #tpu.memory_space<vmem>>) target_semaphore(%run_scoped3A : memref<!tpu.dma_semaphore, #tpu.memory_space<semaphore_mem>>)
      %dma_wait3A_129 = arith.constant 0 : i32
      %dma_wait3A_130 = tpu.memref_slice %arg2[%dma_wait3A_129, %mul3A_2] : memref<50x4096xi32, #tpu.memory_space<hbm>> -> memref<50x128xi32, #tpu.memory_space<hbm>>
      %dma_wait3A_131 = arith.constant 0 : i32
      %dma_wait3A_132 = tpu.memref_slice %arg2[%dma_wait3A_131, %mul3A_2] : memref<50x4096xi32, #tpu.memory_space<hbm>> -> memref<50x128xi32, #tpu.memory_space<hbm>>
      tpu.wait_dma2 semaphore(%run_scoped3A : memref<!tpu.dma_semaphore, #tpu.memory_space<semaphore_mem>>) src(%dma_wait3A_132 : memref<50x128xi32, #tpu.memory_space<hbm>>) dst(%arg5 : memref<50x128xi32, #tpu.memory_space<vmem>>)
      tpu.yield
    }) : () -> ()
    %dma_start3A = arith.constant 0 : i32
    %dma_start3A_3 = arith.constant 0 : i32
    %dma_start3A_4 = tpu.memref_slice %arg5[%dma_start3A, %dma_start3A_3] : memref<50x128xi32, #tpu.memory_space<vmem>> -> memref<1x64xi32, #tpu.memory_space<vmem>>
    %dma_start3A_5 = tpu.memref_squeeze %dma_start3A_4 : memref<1x64xi32, #tpu.memory_space<vmem>> -> memref<64xi32, #tpu.memory_space<vmem>>
    %dma_start3A_6 = arith.constant 0 : i32
    %dma_start3A_7 = arith.constant 0 : i32
    %dma_start3A_8 = tpu.memref_slice %arg3[%dma_start3A_6, %dma_start3A_7] : memref<100000x128xf32, #tpu.memory_space<hbm>> -> memref<100000x128xf32, #tpu.memory_space<hbm>>
    tpu.enqueue_indirect_dma source(%dma_start3A_8 : memref<100000x128xf32, #tpu.memory_space<hbm>>) target(%arg6 : memref<64x128xf32, #tpu.memory_space<vmem>>) offsets(%dma_start3A_5 : memref<64xi32, #tpu.memory_space<vmem>>) semaphore(%arg16 : memref<!tpu.dma_semaphore, #tpu.memory_space<semaphore_mem>>)
    %dma_start3A_9 = arith.constant 0 : i32
    %dma_start3A_10 = arith.constant 64 : i32
    %dma_start3A_11 = tpu.memref_slice %arg5[%dma_start3A_9, %dma_start3A_10] : memref<50x128xi32, #tpu.memory_space<vmem>> -> memref<1x64xi32, #tpu.memory_space<vmem>>
    %dma_start3A_12 = tpu.memref_squeeze %dma_start3A_11 : memref<1x64xi32, #tpu.memory_space<vmem>> -> memref<64xi32, #tpu.memory_space<vmem>>
    %dma_start3A_13 = arith.constant 0 : i32
    %dma_start3A_14 = arith.constant 0 : i32
    %dma_start3A_15 = tpu.memref_slice %arg3[%dma_start3A_13, %dma_start3A_14] : memref<100000x128xf32, #tpu.memory_space<hbm>> -> memref<100000x128xf32, #tpu.memory_space<hbm>>
    tpu.enqueue_indirect_dma source(%dma_start3A_15 : memref<100000x128xf32, #tpu.memory_space<hbm>>) target(%arg7 : memref<64x128xf32, #tpu.memory_space<vmem>>) offsets(%dma_start3A_12 : memref<64xi32, #tpu.memory_space<vmem>>) semaphore(%arg17 : memref<!tpu.dma_semaphore, #tpu.memory_space<semaphore_mem>>)
    %dma_start3A_16 = arith.constant 1 : i32
    %dma_start3A_17 = arith.constant 0 : i32
    %dma_start3A_18 = tpu.memref_slice %arg5[%dma_start3A_16, %dma_start3A_17] : memref<50x128xi32, #tpu.memory_space<vmem>> -> memref<1x64xi32, #tpu.memory_space<vmem>>
    %dma_start3A_19 = tpu.memref_squeeze %dma_start3A_18 : memref<1x64xi32, #tpu.memory_space<vmem>> -> memref<64xi32, #tpu.memory_space<vmem>>
    %dma_start3A_20 = arith.constant 0 : i32
    %dma_start3A_21 = arith.constant 0 : i32
    %dma_start3A_22 = tpu.memref_slice %arg3[%dma_start3A_20, %dma_start3A_21] : memref<100000x128xf32, #tpu.memory_space<hbm>> -> memref<100000x128xf32, #tpu.memory_space<hbm>>
    tpu.enqueue_indirect_dma source(%dma_start3A_22 : memref<100000x128xf32, #tpu.memory_space<hbm>>) target(%arg8 : memref<64x128xf32, #tpu.memory_space<vmem>>) offsets(%dma_start3A_19 : memref<64xi32, #tpu.memory_space<vmem>>) semaphore(%arg18 : memref<!tpu.dma_semaphore, #tpu.memory_space<semaphore_mem>>)
    %dma_start3A_23 = arith.constant 1 : i32
    %dma_start3A_24 = arith.constant 64 : i32
    %dma_start3A_25 = tpu.memref_slice %arg5[%dma_start3A_23, %dma_start3A_24] : memref<50x128xi32, #tpu.memory_space<vmem>> -> memref<1x64xi32, #tpu.memory_space<vmem>>
    %dma_start3A_26 = tpu.memref_squeeze %dma_start3A_25 : memref<1x64xi32, #tpu.memory_space<vmem>> -> memref<64xi32, #tpu.memory_space<vmem>>
    %dma_start3A_27 = arith.constant 0 : i32
    %dma_start3A_28 = arith.constant 0 : i32
    %dma_start3A_29 = tpu.memref_slice %arg3[%dma_start3A_27, %dma_start3A_28] : memref<100000x128xf32, #tpu.memory_space<hbm>> -> memref<100000x128xf32, #tpu.memory_space<hbm>>
    tpu.enqueue_indirect_dma source(%dma_start3A_29 : memref<100000x128xf32, #tpu.memory_space<hbm>>) target(%arg9 : memref<64x128xf32, #tpu.memory_space<vmem>>) offsets(%dma_start3A_26 : memref<64xi32, #tpu.memory_space<vmem>>) semaphore(%arg19 : memref<!tpu.dma_semaphore, #tpu.memory_space<semaphore_mem>>)
    %dma_start3A_30 = arith.constant 2 : i32
    %dma_start3A_31 = arith.constant 0 : i32
    %dma_start3A_32 = tpu.memref_slice %arg5[%dma_start3A_30, %dma_start3A_31] : memref<50x128xi32, #tpu.memory_space<vmem>> -> memref<1x64xi32, #tpu.memory_space<vmem>>
    %dma_start3A_33 = tpu.memref_squeeze %dma_start3A_32 : memref<1x64xi32, #tpu.memory_space<vmem>> -> memref<64xi32, #tpu.memory_space<vmem>>
    %dma_start3A_34 = arith.constant 0 : i32
    %dma_start3A_35 = arith.constant 0 : i32
    %dma_start3A_36 = tpu.memref_slice %arg3[%dma_start3A_34, %dma_start3A_35] : memref<100000x128xf32, #tpu.memory_space<hbm>> -> memref<100000x128xf32, #tpu.memory_space<hbm>>
    tpu.enqueue_indirect_dma source(%dma_start3A_36 : memref<100000x128xf32, #tpu.memory_space<hbm>>) target(%arg10 : memref<64x128xf32, #tpu.memory_space<vmem>>) offsets(%dma_start3A_33 : memref<64xi32, #tpu.memory_space<vmem>>) semaphore(%arg20 : memref<!tpu.dma_semaphore, #tpu.memory_space<semaphore_mem>>)
    %dma_start3A_37 = arith.constant 2 : i32
    %dma_start3A_38 = arith.constant 64 : i32
    %dma_start3A_39 = tpu.memref_slice %arg5[%dma_start3A_37, %dma_start3A_38] : memref<50x128xi32, #tpu.memory_space<vmem>> -> memref<1x64xi32, #tpu.memory_space<vmem>>
    %dma_start3A_40 = tpu.memref_squeeze %dma_start3A_39 : memref<1x64xi32, #tpu.memory_space<vmem>> -> memref<64xi32, #tpu.memory_space<vmem>>
    %dma_start3A_41 = arith.constant 0 : i32
    %dma_start3A_42 = arith.constant 0 : i32
    %dma_start3A_43 = tpu.memref_slice %arg3[%dma_start3A_41, %dma_start3A_42] : memref<100000x128xf32, #tpu.memory_space<hbm>> -> memref<100000x128xf32, #tpu.memory_space<hbm>>
    tpu.enqueue_indirect_dma source(%dma_start3A_43 : memref<100000x128xf32, #tpu.memory_space<hbm>>) target(%arg11 : memref<64x128xf32, #tpu.memory_space<vmem>>) offsets(%dma_start3A_40 : memref<64xi32, #tpu.memory_space<vmem>>) semaphore(%arg21 : memref<!tpu.dma_semaphore, #tpu.memory_space<semaphore_mem>>)
    %dma_start3A_44 = arith.constant 3 : i32
    %dma_start3A_45 = arith.constant 0 : i32
    %dma_start3A_46 = tpu.memref_slice %arg5[%dma_start3A_44, %dma_start3A_45] : memref<50x128xi32, #tpu.memory_space<vmem>> -> memref<1x64xi32, #tpu.memory_space<vmem>>
    %dma_start3A_47 = tpu.memref_squeeze %dma_start3A_46 : memref<1x64xi32, #tpu.memory_space<vmem>> -> memref<64xi32, #tpu.memory_space<vmem>>
    %dma_start3A_48 = arith.constant 0 : i32
    %dma_start3A_49 = arith.constant 0 : i32
    %dma_start3A_50 = tpu.memref_slice %arg3[%dma_start3A_48, %dma_start3A_49] : memref<100000x128xf32, #tpu.memory_space<hbm>> -> memref<100000x128xf32, #tpu.memory_space<hbm>>
    tpu.enqueue_indirect_dma source(%dma_start3A_50 : memref<100000x128xf32, #tpu.memory_space<hbm>>) target(%arg12 : memref<64x128xf32, #tpu.memory_space<vmem>>) offsets(%dma_start3A_47 : memref<64xi32, #tpu.memory_space<vmem>>) semaphore(%arg22 : memref<!tpu.dma_semaphore, #tpu.memory_space<semaphore_mem>>)
    %scan3A = arith.constant 0 : i32
    %scan3A_51 = arith.constant 0 : i32
    %scan3A_52 = arith.constant 10 : i32
    %scan3A_53 = arith.addi %scan3A_51, %scan3A_52 : i32
    %scan3A_54 = arith.constant 1 : i32
    scf.for %scan3A_125 = %scan3A_51 to %scan3A_53 step %scan3A_54  : i32 {
      %mul3A_126 = arith.constant 10 : i32
      %mul3A_127 = arith.muli %mul3A_126, %scan3A_125 : i32
      %add3A_128 = arith.constant 0 : i32
      %add3A_129 = arith.addi %mul3A_127, %add3A_128 : i32
      %mul3A_130 = arith.constant 5 : i32
      %mul3A_131 = arith.muli %mul3A_130, %scan3A_125 : i32
      %add3A_132 = arith.constant 0 : i32
      %add3A_133 = arith.addi %mul3A_131, %add3A_132 : i32
      %dma_wait3A_134 = arith.constant 0 : i32
      %dma_wait3A_135 = tpu.memref_slice %arg5[%add3A_133, %dma_wait3A_134] : memref<50x128xi32, #tpu.memory_space<vmem>> -> memref<1x64xi32, #tpu.memory_space<vmem>>
      %dma_wait3A_136 = tpu.memref_squeeze %dma_wait3A_135 : memref<1x64xi32, #tpu.memory_space<vmem>> -> memref<64xi32, #tpu.memory_space<vmem>>
      %dma_wait3A_137 = arith.constant 0 : i32
      %dma_wait3A_138 = arith.constant 0 : i32
      %dma_wait3A_139 = tpu.memref_slice %arg3[%dma_wait3A_137, %dma_wait3A_138] : memref<100000x128xf32, #tpu.memory_space<hbm>> -> memref<100000x128xf32, #tpu.memory_space<hbm>>
      tpu.wait_indirect_dma semaphore(%arg16 : memref<!tpu.dma_semaphore, #tpu.memory_space<semaphore_mem>>) src(%dma_wait3A_139 : memref<100000x128xf32, #tpu.memory_space<hbm>>) dst(%arg6 : memref<64x128xf32, #tpu.memory_space<vmem>>)
      %mul3A_140 = arith.constant 5 : i32
      %mul3A_141 = arith.muli %mul3A_140, %scan3A_125 : i32
      %add3A_142 = arith.constant 0 : i32
      %add3A_143 = arith.addi %mul3A_141, %add3A_142 : i32
      %add3A_144 = arith.constant 0 : i32
      %add3A_145 = arith.addi %mul3A_2, %add3A_144 : i32
      %dma_start3A_146 = arith.constant 0 : i32
      %dma_start3A_147 = tpu.memref_slice %arg4[%add3A_143, %add3A_145, %dma_start3A_146] : memref<50x4096x128xf32, #tpu.memory_space<hbm>> -> memref<1x64x128xf32, #tpu.memory_space<hbm>>
      %dma_start3A_148 = tpu.memref_squeeze %dma_start3A_147 : memref<1x64x128xf32, #tpu.memory_space<hbm>> -> memref<64x128xf32, #tpu.memory_space<hbm>>
      %dma_start3A_149 = arith.constant 0 : i32
      %dma_start3A_150 = tpu.memref_slice %arg4[%add3A_143, %add3A_145, %dma_start3A_149] : memref<50x4096x128xf32, #tpu.memory_space<hbm>> -> memref<1x64x128xf32, #tpu.memory_space<hbm>>
      %dma_start3A_151 = tpu.memref_squeeze %dma_start3A_150 : memref<1x64x128xf32, #tpu.memory_space<hbm>> -> memref<64x128xf32, #tpu.memory_space<hbm>>
      tpu.enqueue_dma source(%arg6 : memref<64x128xf32, #tpu.memory_space<vmem>>) target(%dma_start3A_151 : memref<64x128xf32, #tpu.memory_space<hbm>>) target_semaphore(%arg26 : memref<!tpu.dma_semaphore, #tpu.memory_space<semaphore_mem>>)
      %gt3A = arith.constant 0 : i32
      %gt3A_152 = arith.cmpi sgt, %scan3A_125, %gt3A : i32
      %convert_element_type3A = arith.extui %gt3A_152 : i1 to i32
      %cond3A = arith.constant 0 : i32
      %cond3A_153 = arith.cmpi ne, %convert_element_type3A, %cond3A : i32
      scf.if %cond3A_153 {
        %dma_wait3A_570 = arith.constant 0 : i32
        %dma_wait3A_571 = arith.constant 0 : i32
        %dma_wait3A_572 = tpu.memref_slice %arg4[%dma_wait3A_570, %mul3A_2, %dma_wait3A_571] : memref<50x4096x128xf32, #tpu.memory_space<hbm>> -> memref<1x64x128xf32, #tpu.memory_space<hbm>>
        %dma_wait3A_573 = tpu.memref_squeeze %dma_wait3A_572 : memref<1x64x128xf32, #tpu.memory_space<hbm>> -> memref<64x128xf32, #tpu.memory_space<hbm>>
        %dma_wait3A_574 = arith.constant 0 : i32
        %dma_wait3A_575 = tpu.memref_slice %arg4[%dma_wait3A_570, %mul3A_2, %dma_wait3A_574] : memref<50x4096x128xf32, #tpu.memory_space<hbm>> -> memref<1x64x128xf32, #tpu.memory_space<hbm>>
        %dma_wait3A_576 = tpu.memref_squeeze %dma_wait3A_575 : memref<1x64x128xf32, #tpu.memory_space<hbm>> -> memref<64x128xf32, #tpu.memory_space<hbm>>
        tpu.wait_dma2 semaphore(%arg33 : memref<!tpu.dma_semaphore, #tpu.memory_space<semaphore_mem>>) src(%arg13 : memref<64x128xf32, #tpu.memory_space<vmem>>) dst(%dma_wait3A_576 : memref<64x128xf32, #tpu.memory_space<hbm>>)
      } else {
      }
      %add3A_154 = arith.constant 7 : i32
      %add3A_155 = arith.addi %add3A_129, %add3A_154 : i32
      %jit3A = arith.constant 2 : i32
      %div3A = arith.divsi %add3A_155, %jit3A : i32
      %sign3A = arith.constant 0 : i32
      %sign3A_156 = arith.cmpi sgt, %add3A_155, %sign3A : i32
      %sign3A_157 = arith.extui %sign3A_156 : i1 to i32
      %sign3A_158 = arith.constant 0 : i32
      %sign3A_159 = arith.cmpi slt, %add3A_155, %sign3A_158 : i32
      %sign3A_160 = arith.extui %sign3A_159 : i1 to i32
      %sign3A_161 = arith.subi %sign3A_157, %sign3A_160 : i32
      %sign3A_162 = arith.constant 0 : i32
      %sign3A_163 = arith.cmpi sgt, %jit3A, %sign3A_162 : i32
      %sign3A_164 = arith.extui %sign3A_163 : i1 to i32
      %sign3A_165 = arith.constant 0 : i32
      %sign3A_166 = arith.cmpi slt, %jit3A, %sign3A_165 : i32
      %sign3A_167 = arith.extui %sign3A_166 : i1 to i32
      %sign3A_168 = arith.subi %sign3A_164, %sign3A_167 : i32
      %ne3A = arith.cmpi ne, %sign3A_161, %sign3A_168 : i32
      %rem3A = arith.remsi %add3A_155, %jit3A : i32
      %ne3A_169 = arith.constant 0 : i32
      %ne3A_170 = arith.cmpi ne, %rem3A, %ne3A_169 : i32
      %and3A = arith.andi %ne3A, %ne3A_170 : i1
      %sub3A = arith.constant 1 : i32
      %sub3A_171 = arith.subi %div3A, %sub3A : i32
      %select_n3A = arith.select %and3A, %sub3A_171, %div3A : i32
      %jit3A_172 = arith.constant 2 : i32
      %eq3A = arith.constant 0 : i32
      %eq3A_173 = arith.cmpi eq, %jit3A_172, %eq3A : i32
      %jit3A_174 = arith.constant 1 : i32
      %select_n3A_175 = arith.select %eq3A_173, %jit3A_174, %jit3A_172 : i32
      %rem3A_176 = arith.remsi %add3A_155, %select_n3A_175 : i32
      %ne3A_177 = arith.constant 0 : i32
      %ne3A_178 = arith.cmpi ne, %rem3A_176, %ne3A_177 : i32
      %lt3A = arith.constant 0 : i32
      %lt3A_179 = arith.cmpi slt, %rem3A_176, %lt3A : i32
      %lt3A_180 = arith.constant 0 : i32
      %lt3A_181 = arith.cmpi slt, %select_n3A_175, %lt3A_180 : i32
      %ne3A_182 = arith.xori %lt3A_179, %lt3A_181 : i1
      %and3A_183 = arith.andi %ne3A_182, %ne3A_178 : i1
      %add3A_184 = arith.addi %rem3A_176, %select_n3A_175 : i32
      %select_n3A_185 = arith.select %and3A_183, %add3A_184, %rem3A_176 : i32
      %mul3A_186 = arith.constant 64 : i32
      %mul3A_187 = arith.muli %select_n3A_185, %mul3A_186 : i32
      %dma_start3A_188 = tpu.memref_slice %arg5[%select_n3A, %mul3A_187] : memref<50x128xi32, #tpu.memory_space<vmem>> -> memref<1x64xi32, #tpu.memory_space<vmem>>
      %dma_start3A_189 = tpu.memref_squeeze %dma_start3A_188 : memref<1x64xi32, #tpu.memory_space<vmem>> -> memref<64xi32, #tpu.memory_space<vmem>>
      %dma_start3A_190 = arith.constant 0 : i32
      %dma_start3A_191 = arith.constant 0 : i32
      %dma_start3A_192 = tpu.memref_slice %arg3[%dma_start3A_190, %dma_start3A_191] : memref<100000x128xf32, #tpu.memory_space<hbm>> -> memref<100000x128xf32, #tpu.memory_space<hbm>>
      tpu.enqueue_indirect_dma source(%dma_start3A_192 : memref<100000x128xf32, #tpu.memory_space<hbm>>) target(%arg13 : memref<64x128xf32, #tpu.memory_space<vmem>>) offsets(%dma_start3A_189 : memref<64xi32, #tpu.memory_space<vmem>>) semaphore(%arg23 : memref<!tpu.dma_semaphore, #tpu.memory_space<semaphore_mem>>)
      %mul3A_193 = arith.constant 10 : i32
      %mul3A_194 = arith.muli %mul3A_193, %scan3A_125 : i32
      %add3A_195 = arith.constant 1 : i32
      %add3A_196 = arith.addi %mul3A_194, %add3A_195 : i32
      %mul3A_197 = arith.constant 5 : i32
      %mul3A_198 = arith.muli %mul3A_197, %scan3A_125 : i32
      %add3A_199 = arith.constant 0 : i32
      %add3A_200 = arith.addi %mul3A_198, %add3A_199 : i32
      %dma_wait3A_201 = arith.constant 64 : i32
      %dma_wait3A_202 = tpu.memref_slice %arg5[%add3A_200, %dma_wait3A_201] : memref<50x128xi32, #tpu.memory_space<vmem>> -> memref<1x64xi32, #tpu.memory_space<vmem>>
      %dma_wait3A_203 = tpu.memref_squeeze %dma_wait3A_202 : memref<1x64xi32, #tpu.memory_space<vmem>> -> memref<64xi32, #tpu.memory_space<vmem>>
      %dma_wait3A_204 = arith.constant 0 : i32
      %dma_wait3A_205 = arith.constant 0 : i32
      %dma_wait3A_206 = tpu.memref_slice %arg3[%dma_wait3A_204, %dma_wait3A_205] : memref<100000x128xf32, #tpu.memory_space<hbm>> -> memref<100000x128xf32, #tpu.memory_space<hbm>>
      tpu.wait_indirect_dma semaphore(%arg17 : memref<!tpu.dma_semaphore, #tpu.memory_space<semaphore_mem>>) src(%dma_wait3A_206 : memref<100000x128xf32, #tpu.memory_space<hbm>>) dst(%arg7 : memref<64x128xf32, #tpu.memory_space<vmem>>)
      %mul3A_207 = arith.constant 5 : i32
      %mul3A_208 = arith.muli %mul3A_207, %scan3A_125 : i32
      %add3A_209 = arith.constant 0 : i32
      %add3A_210 = arith.addi %mul3A_208, %add3A_209 : i32
      %add3A_211 = arith.constant 64 : i32
      %add3A_212 = arith.addi %mul3A_2, %add3A_211 : i32
      %dma_start3A_213 = arith.constant 0 : i32
      %dma_start3A_214 = tpu.memref_slice %arg4[%add3A_210, %add3A_212, %dma_start3A_213] : memref<50x4096x128xf32, #tpu.memory_space<hbm>> -> memref<1x64x128xf32, #tpu.memory_space<hbm>>
      %dma_start3A_215 = tpu.memref_squeeze %dma_start3A_214 : memref<1x64x128xf32, #tpu.memory_space<hbm>> -> memref<64x128xf32, #tpu.memory_space<hbm>>
      %dma_start3A_216 = arith.constant 0 : i32
      %dma_start3A_217 = tpu.memref_slice %arg4[%add3A_210, %add3A_212, %dma_start3A_216] : memref<50x4096x128xf32, #tpu.memory_space<hbm>> -> memref<1x64x128xf32, #tpu.memory_space<hbm>>
      %dma_start3A_218 = tpu.memref_squeeze %dma_start3A_217 : memref<1x64x128xf32, #tpu.memory_space<hbm>> -> memref<64x128xf32, #tpu.memory_space<hbm>>
      tpu.enqueue_dma source(%arg7 : memref<64x128xf32, #tpu.memory_space<vmem>>) target(%dma_start3A_218 : memref<64x128xf32, #tpu.memory_space<hbm>>) target_semaphore(%arg27 : memref<!tpu.dma_semaphore, #tpu.memory_space<semaphore_mem>>)
      %gt3A_219 = arith.constant 0 : i32
      %gt3A_220 = arith.cmpi sgt, %scan3A_125, %gt3A_219 : i32
      %convert_element_type3A_221 = arith.extui %gt3A_220 : i1 to i32
      %cond3A_222 = arith.constant 0 : i32
      %cond3A_223 = arith.cmpi ne, %convert_element_type3A_221, %cond3A_222 : i32
      scf.if %cond3A_223 {
        %dma_wait3A_570 = arith.constant 0 : i32
        %dma_wait3A_571 = arith.constant 0 : i32
        %dma_wait3A_572 = tpu.memref_slice %arg4[%dma_wait3A_570, %mul3A_2, %dma_wait3A_571] : memref<50x4096x128xf32, #tpu.memory_space<hbm>> -> memref<1x64x128xf32, #tpu.memory_space<hbm>>
        %dma_wait3A_573 = tpu.memref_squeeze %dma_wait3A_572 : memref<1x64x128xf32, #tpu.memory_space<hbm>> -> memref<64x128xf32, #tpu.memory_space<hbm>>
        %dma_wait3A_574 = arith.constant 0 : i32
        %dma_wait3A_575 = tpu.memref_slice %arg4[%dma_wait3A_570, %mul3A_2, %dma_wait3A_574] : memref<50x4096x128xf32, #tpu.memory_space<hbm>> -> memref<1x64x128xf32, #tpu.memory_space<hbm>>
        %dma_wait3A_576 = tpu.memref_squeeze %dma_wait3A_575 : memref<1x64x128xf32, #tpu.memory_space<hbm>> -> memref<64x128xf32, #tpu.memory_space<hbm>>
        tpu.wait_dma2 semaphore(%arg34 : memref<!tpu.dma_semaphore, #tpu.memory_space<semaphore_mem>>) src(%arg14 : memref<64x128xf32, #tpu.memory_space<vmem>>) dst(%dma_wait3A_576 : memref<64x128xf32, #tpu.memory_space<hbm>>)
      } else {
      }
      %add3A_224 = arith.constant 7 : i32
      %add3A_225 = arith.addi %add3A_196, %add3A_224 : i32
      %jit3A_226 = arith.constant 2 : i32
      %div3A_227 = arith.divsi %add3A_225, %jit3A_226 : i32
      %sign3A_228 = arith.constant 0 : i32
      %sign3A_229 = arith.cmpi sgt, %add3A_225, %sign3A_228 : i32
      %sign3A_230 = arith.extui %sign3A_229 : i1 to i32
      %sign3A_231 = arith.constant 0 : i32
      %sign3A_232 = arith.cmpi slt, %add3A_225, %sign3A_231 : i32
      %sign3A_233 = arith.extui %sign3A_232 : i1 to i32
      %sign3A_234 = arith.subi %sign3A_230, %sign3A_233 : i32
      %sign3A_235 = arith.constant 0 : i32
      %sign3A_236 = arith.cmpi sgt, %jit3A_226, %sign3A_235 : i32
      %sign3A_237 = arith.extui %sign3A_236 : i1 to i32
      %sign3A_238 = arith.constant 0 : i32
      %sign3A_239 = arith.cmpi slt, %jit3A_226, %sign3A_238 : i32
      %sign3A_240 = arith.extui %sign3A_239 : i1 to i32
      %sign3A_241 = arith.subi %sign3A_237, %sign3A_240 : i32
      %ne3A_242 = arith.cmpi ne, %sign3A_234, %sign3A_241 : i32
      %rem3A_243 = arith.remsi %add3A_225, %jit3A_226 : i32
      %ne3A_244 = arith.constant 0 : i32
      %ne3A_245 = arith.cmpi ne, %rem3A_243, %ne3A_244 : i32
      %and3A_246 = arith.andi %ne3A_242, %ne3A_245 : i1
      %sub3A_247 = arith.constant 1 : i32
      %sub3A_248 = arith.subi %div3A_227, %sub3A_247 : i32
      %select_n3A_249 = arith.select %and3A_246, %sub3A_248, %div3A_227 : i32
      %jit3A_250 = arith.constant 2 : i32
      %eq3A_251 = arith.constant 0 : i32
      %eq3A_252 = arith.cmpi eq, %jit3A_250, %eq3A_251 : i32
      %jit3A_253 = arith.constant 1 : i32
      %select_n3A_254 = arith.select %eq3A_252, %jit3A_253, %jit3A_250 : i32
      %rem3A_255 = arith.remsi %add3A_225, %select_n3A_254 : i32
      %ne3A_256 = arith.constant 0 : i32
      %ne3A_257 = arith.cmpi ne, %rem3A_255, %ne3A_256 : i32
      %lt3A_258 = arith.constant 0 : i32
      %lt3A_259 = arith.cmpi slt, %rem3A_255, %lt3A_258 : i32
      %lt3A_260 = arith.constant 0 : i32
      %lt3A_261 = arith.cmpi slt, %select_n3A_254, %lt3A_260 : i32
      %ne3A_262 = arith.xori %lt3A_259, %lt3A_261 : i1
      %and3A_263 = arith.andi %ne3A_262, %ne3A_257 : i1
      %add3A_264 = arith.addi %rem3A_255, %select_n3A_254 : i32
      %select_n3A_265 = arith.select %and3A_263, %add3A_264, %rem3A_255 : i32
      %mul3A_266 = arith.constant 64 : i32
      %mul3A_267 = arith.muli %select_n3A_265, %mul3A_266 : i32
      %dma_start3A_268 = tpu.memref_slice %arg5[%select_n3A_249, %mul3A_267] : memref<50x128xi32, #tpu.memory_space<vmem>> -> memref<1x64xi32, #tpu.memory_space<vmem>>
      %dma_start3A_269 = tpu.memref_squeeze %dma_start3A_268 : memref<1x64xi32, #tpu.memory_space<vmem>> -> memref<64xi32, #tpu.memory_space<vmem>>
      %dma_start3A_270 = arith.constant 0 : i32
      %dma_start3A_271 = arith.constant 0 : i32
      %dma_start3A_272 = tpu.memref_slice %arg3[%dma_start3A_270, %dma_start3A_271] : memref<100000x128xf32, #tpu.memory_space<hbm>> -> memref<100000x128xf32, #tpu.memory_space<hbm>>
      tpu.enqueue_indirect_dma source(%dma_start3A_272 : memref<100000x128xf32, #tpu.memory_space<hbm>>) target(%arg14 : memref<64x128xf32, #tpu.memory_space<vmem>>) offsets(%dma_start3A_269 : memref<64xi32, #tpu.memory_space<vmem>>) semaphore(%arg24 : memref<!tpu.dma_semaphore, #tpu.memory_space<semaphore_mem>>)
      %mul3A_273 = arith.constant 10 : i32
      %mul3A_274 = arith.muli %mul3A_273, %scan3A_125 : i32
      %add3A_275 = arith.constant 2 : i32
      %add3A_276 = arith.addi %mul3A_274, %add3A_275 : i32
      %mul3A_277 = arith.constant 5 : i32
      %mul3A_278 = arith.muli %mul3A_277, %scan3A_125 : i32
      %add3A_279 = arith.constant 1 : i32
      %add3A_280 = arith.addi %mul3A_278, %add3A_279 : i32
      %dma_wait3A_281 = arith.constant 0 : i32
      %dma_wait3A_282 = tpu.memref_slice %arg5[%add3A_280, %dma_wait3A_281] : memref<50x128xi32, #tpu.memory_space<vmem>> -> memref<1x64xi32, #tpu.memory_space<vmem>>
      %dma_wait3A_283 = tpu.memref_squeeze %dma_wait3A_282 : memref<1x64xi32, #tpu.memory_space<vmem>> -> memref<64xi32, #tpu.memory_space<vmem>>
      %dma_wait3A_284 = arith.constant 0 : i32
      %dma_wait3A_285 = arith.constant 0 : i32
      %dma_wait3A_286 = tpu.memref_slice %arg3[%dma_wait3A_284, %dma_wait3A_285] : memref<100000x128xf32, #tpu.memory_space<hbm>> -> memref<100000x128xf32, #tpu.memory_space<hbm>>
      tpu.wait_indirect_dma semaphore(%arg18 : memref<!tpu.dma_semaphore, #tpu.memory_space<semaphore_mem>>) src(%dma_wait3A_286 : memref<100000x128xf32, #tpu.memory_space<hbm>>) dst(%arg8 : memref<64x128xf32, #tpu.memory_space<vmem>>)
      %mul3A_287 = arith.constant 5 : i32
      %mul3A_288 = arith.muli %mul3A_287, %scan3A_125 : i32
      %add3A_289 = arith.constant 1 : i32
      %add3A_290 = arith.addi %mul3A_288, %add3A_289 : i32
      %add3A_291 = arith.constant 0 : i32
      %add3A_292 = arith.addi %mul3A_2, %add3A_291 : i32
      %dma_start3A_293 = arith.constant 0 : i32
      %dma_start3A_294 = tpu.memref_slice %arg4[%add3A_290, %add3A_292, %dma_start3A_293] : memref<50x4096x128xf32, #tpu.memory_space<hbm>> -> memref<1x64x128xf32, #tpu.memory_space<hbm>>
      %dma_start3A_295 = tpu.memref_squeeze %dma_start3A_294 : memref<1x64x128xf32, #tpu.memory_space<hbm>> -> memref<64x128xf32, #tpu.memory_space<hbm>>
      %dma_start3A_296 = arith.constant 0 : i32
      %dma_start3A_297 = tpu.memref_slice %arg4[%add3A_290, %add3A_292, %dma_start3A_296] : memref<50x4096x128xf32, #tpu.memory_space<hbm>> -> memref<1x64x128xf32, #tpu.memory_space<hbm>>
      %dma_start3A_298 = tpu.memref_squeeze %dma_start3A_297 : memref<1x64x128xf32, #tpu.memory_space<hbm>> -> memref<64x128xf32, #tpu.memory_space<hbm>>
      tpu.enqueue_dma source(%arg8 : memref<64x128xf32, #tpu.memory_space<vmem>>) target(%dma_start3A_298 : memref<64x128xf32, #tpu.memory_space<hbm>>) target_semaphore(%arg28 : memref<!tpu.dma_semaphore, #tpu.memory_space<semaphore_mem>>)
      %gt3A_299 = arith.constant 0 : i32
      %gt3A_300 = arith.cmpi sgt, %scan3A_125, %gt3A_299 : i32
      %convert_element_type3A_301 = arith.extui %gt3A_300 : i1 to i32
      %cond3A_302 = arith.constant 0 : i32
      %cond3A_303 = arith.cmpi ne, %convert_element_type3A_301, %cond3A_302 : i32
      scf.if %cond3A_303 {
        %dma_wait3A_570 = arith.constant 0 : i32
        %dma_wait3A_571 = arith.constant 0 : i32
        %dma_wait3A_572 = tpu.memref_slice %arg4[%dma_wait3A_570, %mul3A_2, %dma_wait3A_571] : memref<50x4096x128xf32, #tpu.memory_space<hbm>> -> memref<1x64x128xf32, #tpu.memory_space<hbm>>
        %dma_wait3A_573 = tpu.memref_squeeze %dma_wait3A_572 : memref<1x64x128xf32, #tpu.memory_space<hbm>> -> memref<64x128xf32, #tpu.memory_space<hbm>>
        %dma_wait3A_574 = arith.constant 0 : i32
        %dma_wait3A_575 = tpu.memref_slice %arg4[%dma_wait3A_570, %mul3A_2, %dma_wait3A_574] : memref<50x4096x128xf32, #tpu.memory_space<hbm>> -> memref<1x64x128xf32, #tpu.memory_space<hbm>>
        %dma_wait3A_576 = tpu.memref_squeeze %dma_wait3A_575 : memref<1x64x128xf32, #tpu.memory_space<hbm>> -> memref<64x128xf32, #tpu.memory_space<hbm>>
        tpu.wait_dma2 semaphore(%arg35 : memref<!tpu.dma_semaphore, #tpu.memory_space<semaphore_mem>>) src(%arg15 : memref<64x128xf32, #tpu.memory_space<vmem>>) dst(%dma_wait3A_576 : memref<64x128xf32, #tpu.memory_space<hbm>>)
      } else {
      }
      %add3A_304 = arith.constant 7 : i32
      %add3A_305 = arith.addi %add3A_276, %add3A_304 : i32
      %jit3A_306 = arith.constant 2 : i32
      %div3A_307 = arith.divsi %add3A_305, %jit3A_306 : i32
      %sign3A_308 = arith.constant 0 : i32
      %sign3A_309 = arith.cmpi sgt, %add3A_305, %sign3A_308 : i32
      %sign3A_310 = arith.extui %sign3A_309 : i1 to i32
      %sign3A_311 = arith.constant 0 : i32
      %sign3A_312 = arith.cmpi slt, %add3A_305, %sign3A_311 : i32
      %sign3A_313 = arith.extui %sign3A_312 : i1 to i32
      %sign3A_314 = arith.subi %sign3A_310, %sign3A_313 : i32
      %sign3A_315 = arith.constant 0 : i32
      %sign3A_316 = arith.cmpi sgt, %jit3A_306, %sign3A_315 : i32
      %sign3A_317 = arith.extui %sign3A_316 : i1 to i32
      %sign3A_318 = arith.constant 0 : i32
      %sign3A_319 = arith.cmpi slt, %jit3A_306, %sign3A_318 : i32
      %sign3A_320 = arith.extui %sign3A_319 : i1 to i32
      %sign3A_321 = arith.subi %sign3A_317, %sign3A_320 : i32
      %ne3A_322 = arith.cmpi ne, %sign3A_314, %sign3A_321 : i32
      %rem3A_323 = arith.remsi %add3A_305, %jit3A_306 : i32
      %ne3A_324 = arith.constant 0 : i32
      %ne3A_325 = arith.cmpi ne, %rem3A_323, %ne3A_324 : i32
      %and3A_326 = arith.andi %ne3A_322, %ne3A_325 : i1
      %sub3A_327 = arith.constant 1 : i32
      %sub3A_328 = arith.subi %div3A_307, %sub3A_327 : i32
      %select_n3A_329 = arith.select %and3A_326, %sub3A_328, %div3A_307 : i32
      %jit3A_330 = arith.constant 2 : i32
      %eq3A_331 = arith.constant 0 : i32
      %eq3A_332 = arith.cmpi eq, %jit3A_330, %eq3A_331 : i32
      %jit3A_333 = arith.constant 1 : i32
      %select_n3A_334 = arith.select %eq3A_332, %jit3A_333, %jit3A_330 : i32
      %rem3A_335 = arith.remsi %add3A_305, %select_n3A_334 : i32
      %ne3A_336 = arith.constant 0 : i32
      %ne3A_337 = arith.cmpi ne, %rem3A_335, %ne3A_336 : i32
      %lt3A_338 = arith.constant 0 : i32
      %lt3A_339 = arith.cmpi slt, %rem3A_335, %lt3A_338 : i32
      %lt3A_340 = arith.constant 0 : i32
      %lt3A_341 = arith.cmpi slt, %select_n3A_334, %lt3A_340 : i32
      %ne3A_342 = arith.xori %lt3A_339, %lt3A_341 : i1
      %and3A_343 = arith.andi %ne3A_342, %ne3A_337 : i1
      %add3A_344 = arith.addi %rem3A_335, %select_n3A_334 : i32
      %select_n3A_345 = arith.select %and3A_343, %add3A_344, %rem3A_335 : i32
      %mul3A_346 = arith.constant 64 : i32
      %mul3A_347 = arith.muli %select_n3A_345, %mul3A_346 : i32
      %dma_start3A_348 = tpu.memref_slice %arg5[%select_n3A_329, %mul3A_347] : memref<50x128xi32, #tpu.memory_space<vmem>> -> memref<1x64xi32, #tpu.memory_space<vmem>>
      %dma_start3A_349 = tpu.memref_squeeze %dma_start3A_348 : memref<1x64xi32, #tpu.memory_space<vmem>> -> memref<64xi32, #tpu.memory_space<vmem>>
      %dma_start3A_350 = arith.constant 0 : i32
      %dma_start3A_351 = arith.constant 0 : i32
      %dma_start3A_352 = tpu.memref_slice %arg3[%dma_start3A_350, %dma_start3A_351] : memref<100000x128xf32, #tpu.memory_space<hbm>> -> memref<100000x128xf32, #tpu.memory_space<hbm>>
      tpu.enqueue_indirect_dma source(%dma_start3A_352 : memref<100000x128xf32, #tpu.memory_space<hbm>>) target(%arg15 : memref<64x128xf32, #tpu.memory_space<vmem>>) offsets(%dma_start3A_349 : memref<64xi32, #tpu.memory_space<vmem>>) semaphore(%arg25 : memref<!tpu.dma_semaphore, #tpu.memory_space<semaphore_mem>>)
      %mul3A_353 = arith.constant 10 : i32
      %mul3A_354 = arith.muli %mul3A_353, %scan3A_125 : i32
      %add3A_355 = arith.constant 3 : i32
      %add3A_356 = arith.addi %mul3A_354, %add3A_355 : i32
      %mul3A_357 = arith.constant 5 : i32
      %mul3A_358 = arith.muli %mul3A_357, %scan3A_125 : i32
      %add3A_359 = arith.constant 1 : i32
      %add3A_360 = arith.addi %mul3A_358, %add3A_359 : i32
      %dma_wait3A_361 = arith.constant 64 : i32
      %dma_wait3A_362 = tpu.memref_slice %arg5[%add3A_360, %dma_wait3A_361] : memref<50x128xi32, #tpu.memory_space<vmem>> -> memref<1x64xi32, #tpu.memory_space<vmem>>
      %dma_wait3A_363 = tpu.memref_squeeze %dma_wait3A_362 : memref<1x64xi32, #tpu.memory_space<vmem>> -> memref<64xi32, #tpu.memory_space<vmem>>
      %dma_wait3A_364 = arith.constant 0 : i32
      %dma_wait3A_365 = arith.constant 0 : i32
      %dma_wait3A_366 = tpu.memref_slice %arg3[%dma_wait3A_364, %dma_wait3A_365] : memref<100000x128xf32, #tpu.memory_space<hbm>> -> memref<100000x128xf32, #tpu.memory_space<hbm>>
      tpu.wait_indirect_dma semaphore(%arg19 : memref<!tpu.dma_semaphore, #tpu.memory_space<semaphore_mem>>) src(%dma_wait3A_366 : memref<100000x128xf32, #tpu.memory_space<hbm>>) dst(%arg9 : memref<64x128xf32, #tpu.memory_space<vmem>>)
      %mul3A_367 = arith.constant 5 : i32
      %mul3A_368 = arith.muli %mul3A_367, %scan3A_125 : i32
      %add3A_369 = arith.constant 1 : i32
      %add3A_370 = arith.addi %mul3A_368, %add3A_369 : i32
      %add3A_371 = arith.constant 64 : i32
      %add3A_372 = arith.addi %mul3A_2, %add3A_371 : i32
      %dma_start3A_373 = arith.constant 0 : i32
      %dma_start3A_374 = tpu.memref_slice %arg4[%add3A_370, %add3A_372, %dma_start3A_373] : memref<50x4096x128xf32, #tpu.memory_space<hbm>> -> memref<1x64x128xf32, #tpu.memory_space<hbm>>
      %dma_start3A_375 = tpu.memref_squeeze %dma_start3A_374 : memref<1x64x128xf32, #tpu.memory_space<hbm>> -> memref<64x128xf32, #tpu.memory_space<hbm>>
      %dma_start3A_376 = arith.constant 0 : i32
      %dma_start3A_377 = tpu.memref_slice %arg4[%add3A_370, %add3A_372, %dma_start3A_376] : memref<50x4096x128xf32, #tpu.memory_space<hbm>> -> memref<1x64x128xf32, #tpu.memory_space<hbm>>
      %dma_start3A_378 = tpu.memref_squeeze %dma_start3A_377 : memref<1x64x128xf32, #tpu.memory_space<hbm>> -> memref<64x128xf32, #tpu.memory_space<hbm>>
      tpu.enqueue_dma source(%arg9 : memref<64x128xf32, #tpu.memory_space<vmem>>) target(%dma_start3A_378 : memref<64x128xf32, #tpu.memory_space<hbm>>) target_semaphore(%arg29 : memref<!tpu.dma_semaphore, #tpu.memory_space<semaphore_mem>>)
      %lt3A_379 = arith.constant 9 : i32
      %lt3A_380 = arith.cmpi slt, %scan3A_125, %lt3A_379 : i32
      %convert_element_type3A_381 = arith.extui %lt3A_380 : i1 to i32
      %cond3A_382 = arith.constant 0 : i32
      %cond3A_383 = arith.cmpi ne, %convert_element_type3A_381, %cond3A_382 : i32
      scf.if %cond3A_383 {
        %dma_wait3A_570 = arith.constant 0 : i32
        %dma_wait3A_571 = arith.constant 0 : i32
        %dma_wait3A_572 = tpu.memref_slice %arg4[%dma_wait3A_570, %mul3A_2, %dma_wait3A_571] : memref<50x4096x128xf32, #tpu.memory_space<hbm>> -> memref<1x64x128xf32, #tpu.memory_space<hbm>>
        %dma_wait3A_573 = tpu.memref_squeeze %dma_wait3A_572 : memref<1x64x128xf32, #tpu.memory_space<hbm>> -> memref<64x128xf32, #tpu.memory_space<hbm>>
        %dma_wait3A_574 = arith.constant 0 : i32
        %dma_wait3A_575 = tpu.memref_slice %arg4[%dma_wait3A_570, %mul3A_2, %dma_wait3A_574] : memref<50x4096x128xf32, #tpu.memory_space<hbm>> -> memref<1x64x128xf32, #tpu.memory_space<hbm>>
        %dma_wait3A_576 = tpu.memref_squeeze %dma_wait3A_575 : memref<1x64x128xf32, #tpu.memory_space<hbm>> -> memref<64x128xf32, #tpu.memory_space<hbm>>
        tpu.wait_dma2 semaphore(%arg26 : memref<!tpu.dma_semaphore, #tpu.memory_space<semaphore_mem>>) src(%arg6 : memref<64x128xf32, #tpu.memory_space<vmem>>) dst(%dma_wait3A_576 : memref<64x128xf32, #tpu.memory_space<hbm>>)
        %add3A_577 = arith.constant 7 : i32
        %add3A_578 = arith.addi %add3A_356, %add3A_577 : i32
        %jit3A_579 = arith.constant 2 : i32
        %div3A_580 = arith.divsi %add3A_578, %jit3A_579 : i32
        %sign3A_581 = arith.constant 0 : i32
        %sign3A_582 = arith.cmpi sgt, %add3A_578, %sign3A_581 : i32
        %sign3A_583 = arith.extui %sign3A_582 : i1 to i32
        %sign3A_584 = arith.constant 0 : i32
        %sign3A_585 = arith.cmpi slt, %add3A_578, %sign3A_584 : i32
        %sign3A_586 = arith.extui %sign3A_585 : i1 to i32
        %sign3A_587 = arith.subi %sign3A_583, %sign3A_586 : i32
        %sign3A_588 = arith.constant 0 : i32
        %sign3A_589 = arith.cmpi sgt, %jit3A_579, %sign3A_588 : i32
        %sign3A_590 = arith.extui %sign3A_589 : i1 to i32
        %sign3A_591 = arith.constant 0 : i32
        %sign3A_592 = arith.cmpi slt, %jit3A_579, %sign3A_591 : i32
        %sign3A_593 = arith.extui %sign3A_592 : i1 to i32
        %sign3A_594 = arith.subi %sign3A_590, %sign3A_593 : i32
        %ne3A_595 = arith.cmpi ne, %sign3A_587, %sign3A_594 : i32
        %rem3A_596 = arith.remsi %add3A_578, %jit3A_579 : i32
        %ne3A_597 = arith.constant 0 : i32
        %ne3A_598 = arith.cmpi ne, %rem3A_596, %ne3A_597 : i32
        %and3A_599 = arith.andi %ne3A_595, %ne3A_598 : i1
        %sub3A_600 = arith.constant 1 : i32
        %sub3A_601 = arith.subi %div3A_580, %sub3A_600 : i32
        %select_n3A_602 = arith.select %and3A_599, %sub3A_601, %div3A_580 : i32
        %jit3A_603 = arith.constant 2 : i32
        %eq3A_604 = arith.constant 0 : i32
        %eq3A_605 = arith.cmpi eq, %jit3A_603, %eq3A_604 : i32
        %jit3A_606 = arith.constant 1 : i32
        %select_n3A_607 = arith.select %eq3A_605, %jit3A_606, %jit3A_603 : i32
        %rem3A_608 = arith.remsi %add3A_578, %select_n3A_607 : i32
        %ne3A_609 = arith.constant 0 : i32
        %ne3A_610 = arith.cmpi ne, %rem3A_608, %ne3A_609 : i32
        %lt3A_611 = arith.constant 0 : i32
        %lt3A_612 = arith.cmpi slt, %rem3A_608, %lt3A_611 : i32
        %lt3A_613 = arith.constant 0 : i32
        %lt3A_614 = arith.cmpi slt, %select_n3A_607, %lt3A_613 : i32
        %ne3A_615 = arith.xori %lt3A_612, %lt3A_614 : i1
        %and3A_616 = arith.andi %ne3A_615, %ne3A_610 : i1
        %add3A_617 = arith.addi %rem3A_608, %select_n3A_607 : i32
        %select_n3A_618 = arith.select %and3A_616, %add3A_617, %rem3A_608 : i32
        %mul3A_619 = arith.constant 64 : i32
        %mul3A_620 = arith.muli %select_n3A_618, %mul3A_619 : i32
        %dma_start3A_621 = tpu.memref_slice %arg5[%select_n3A_602, %mul3A_620] : memref<50x128xi32, #tpu.memory_space<vmem>> -> memref<1x64xi32, #tpu.memory_space<vmem>>
        %dma_start3A_622 = tpu.memref_squeeze %dma_start3A_621 : memref<1x64xi32, #tpu.memory_space<vmem>> -> memref<64xi32, #tpu.memory_space<vmem>>
        %dma_start3A_623 = arith.constant 0 : i32
        %dma_start3A_624 = arith.constant 0 : i32
        %dma_start3A_625 = tpu.memref_slice %arg3[%dma_start3A_623, %dma_start3A_624] : memref<100000x128xf32, #tpu.memory_space<hbm>> -> memref<100000x128xf32, #tpu.memory_space<hbm>>
        tpu.enqueue_indirect_dma source(%dma_start3A_625 : memref<100000x128xf32, #tpu.memory_space<hbm>>) target(%arg6 : memref<64x128xf32, #tpu.memory_space<vmem>>) offsets(%dma_start3A_622 : memref<64xi32, #tpu.memory_space<vmem>>) semaphore(%arg16 : memref<!tpu.dma_semaphore, #tpu.memory_space<semaphore_mem>>)
      } else {
      }
      %mul3A_384 = arith.constant 10 : i32
      %mul3A_385 = arith.muli %mul3A_384, %scan3A_125 : i32
      %add3A_386 = arith.constant 4 : i32
      %add3A_387 = arith.addi %mul3A_385, %add3A_386 : i32
      %mul3A_388 = arith.constant 5 : i32
      %mul3A_389 = arith.muli %mul3A_388, %scan3A_125 : i32
      %add3A_390 = arith.constant 2 : i32
      %add3A_391 = arith.addi %mul3A_389, %add3A_390 : i32
      %dma_wait3A_392 = arith.constant 0 : i32
      %dma_wait3A_393 = tpu.memref_slice %arg5[%add3A_391, %dma_wait3A_392] : memref<50x128xi32, #tpu.memory_space<vmem>> -> memref<1x64xi32, #tpu.memory_space<vmem>>
      %dma_wait3A_394 = tpu.memref_squeeze %dma_wait3A_393 : memref<1x64xi32, #tpu.memory_space<vmem>> -> memref<64xi32, #tpu.memory_space<vmem>>
      %dma_wait3A_395 = arith.constant 0 : i32
      %dma_wait3A_396 = arith.constant 0 : i32
      %dma_wait3A_397 = tpu.memref_slice %arg3[%dma_wait3A_395, %dma_wait3A_396] : memref<100000x128xf32, #tpu.memory_space<hbm>> -> memref<100000x128xf32, #tpu.memory_space<hbm>>
      tpu.wait_indirect_dma semaphore(%arg20 : memref<!tpu.dma_semaphore, #tpu.memory_space<semaphore_mem>>) src(%dma_wait3A_397 : memref<100000x128xf32, #tpu.memory_space<hbm>>) dst(%arg10 : memref<64x128xf32, #tpu.memory_space<vmem>>)
      %mul3A_398 = arith.constant 5 : i32
      %mul3A_399 = arith.muli %mul3A_398, %scan3A_125 : i32
      %add3A_400 = arith.constant 2 : i32
      %add3A_401 = arith.addi %mul3A_399, %add3A_400 : i32
      %add3A_402 = arith.constant 0 : i32
      %add3A_403 = arith.addi %mul3A_2, %add3A_402 : i32
      %dma_start3A_404 = arith.constant 0 : i32
      %dma_start3A_405 = tpu.memref_slice %arg4[%add3A_401, %add3A_403, %dma_start3A_404] : memref<50x4096x128xf32, #tpu.memory_space<hbm>> -> memref<1x64x128xf32, #tpu.memory_space<hbm>>
      %dma_start3A_406 = tpu.memref_squeeze %dma_start3A_405 : memref<1x64x128xf32, #tpu.memory_space<hbm>> -> memref<64x128xf32, #tpu.memory_space<hbm>>
      %dma_start3A_407 = arith.constant 0 : i32
      %dma_start3A_408 = tpu.memref_slice %arg4[%add3A_401, %add3A_403, %dma_start3A_407] : memref<50x4096x128xf32, #tpu.memory_space<hbm>> -> memref<1x64x128xf32, #tpu.memory_space<hbm>>
      %dma_start3A_409 = tpu.memref_squeeze %dma_start3A_408 : memref<1x64x128xf32, #tpu.memory_space<hbm>> -> memref<64x128xf32, #tpu.memory_space<hbm>>
      tpu.enqueue_dma source(%arg10 : memref<64x128xf32, #tpu.memory_space<vmem>>) target(%dma_start3A_409 : memref<64x128xf32, #tpu.memory_space<hbm>>) target_semaphore(%arg30 : memref<!tpu.dma_semaphore, #tpu.memory_space<semaphore_mem>>)
      %lt3A_410 = arith.constant 9 : i32
      %lt3A_411 = arith.cmpi slt, %scan3A_125, %lt3A_410 : i32
      %convert_element_type3A_412 = arith.extui %lt3A_411 : i1 to i32
      %cond3A_413 = arith.constant 0 : i32
      %cond3A_414 = arith.cmpi ne, %convert_element_type3A_412, %cond3A_413 : i32
      scf.if %cond3A_414 {
        %dma_wait3A_570 = arith.constant 0 : i32
        %dma_wait3A_571 = arith.constant 0 : i32
        %dma_wait3A_572 = tpu.memref_slice %arg4[%dma_wait3A_570, %mul3A_2, %dma_wait3A_571] : memref<50x4096x128xf32, #tpu.memory_space<hbm>> -> memref<1x64x128xf32, #tpu.memory_space<hbm>>
        %dma_wait3A_573 = tpu.memref_squeeze %dma_wait3A_572 : memref<1x64x128xf32, #tpu.memory_space<hbm>> -> memref<64x128xf32, #tpu.memory_space<hbm>>
        %dma_wait3A_574 = arith.constant 0 : i32
        %dma_wait3A_575 = tpu.memref_slice %arg4[%dma_wait3A_570, %mul3A_2, %dma_wait3A_574] : memref<50x4096x128xf32, #tpu.memory_space<hbm>> -> memref<1x64x128xf32, #tpu.memory_space<hbm>>
        %dma_wait3A_576 = tpu.memref_squeeze %dma_wait3A_575 : memref<1x64x128xf32, #tpu.memory_space<hbm>> -> memref<64x128xf32, #tpu.memory_space<hbm>>
        tpu.wait_dma2 semaphore(%arg27 : memref<!tpu.dma_semaphore, #tpu.memory_space<semaphore_mem>>) src(%arg7 : memref<64x128xf32, #tpu.memory_space<vmem>>) dst(%dma_wait3A_576 : memref<64x128xf32, #tpu.memory_space<hbm>>)
        %add3A_577 = arith.constant 7 : i32
        %add3A_578 = arith.addi %add3A_387, %add3A_577 : i32
        %jit3A_579 = arith.constant 2 : i32
        %div3A_580 = arith.divsi %add3A_578, %jit3A_579 : i32
        %sign3A_581 = arith.constant 0 : i32
        %sign3A_582 = arith.cmpi sgt, %add3A_578, %sign3A_581 : i32
        %sign3A_583 = arith.extui %sign3A_582 : i1 to i32
        %sign3A_584 = arith.constant 0 : i32
        %sign3A_585 = arith.cmpi slt, %add3A_578, %sign3A_584 : i32
        %sign3A_586 = arith.extui %sign3A_585 : i1 to i32
        %sign3A_587 = arith.subi %sign3A_583, %sign3A_586 : i32
        %sign3A_588 = arith.constant 0 : i32
        %sign3A_589 = arith.cmpi sgt, %jit3A_579, %sign3A_588 : i32
        %sign3A_590 = arith.extui %sign3A_589 : i1 to i32
        %sign3A_591 = arith.constant 0 : i32
        %sign3A_592 = arith.cmpi slt, %jit3A_579, %sign3A_591 : i32
        %sign3A_593 = arith.extui %sign3A_592 : i1 to i32
        %sign3A_594 = arith.subi %sign3A_590, %sign3A_593 : i32
        %ne3A_595 = arith.cmpi ne, %sign3A_587, %sign3A_594 : i32
        %rem3A_596 = arith.remsi %add3A_578, %jit3A_579 : i32
        %ne3A_597 = arith.constant 0 : i32
        %ne3A_598 = arith.cmpi ne, %rem3A_596, %ne3A_597 : i32
        %and3A_599 = arith.andi %ne3A_595, %ne3A_598 : i1
        %sub3A_600 = arith.constant 1 : i32
        %sub3A_601 = arith.subi %div3A_580, %sub3A_600 : i32
        %select_n3A_602 = arith.select %and3A_599, %sub3A_601, %div3A_580 : i32
        %jit3A_603 = arith.constant 2 : i32
        %eq3A_604 = arith.constant 0 : i32
        %eq3A_605 = arith.cmpi eq, %jit3A_603, %eq3A_604 : i32
        %jit3A_606 = arith.constant 1 : i32
        %select_n3A_607 = arith.select %eq3A_605, %jit3A_606, %jit3A_603 : i32
        %rem3A_608 = arith.remsi %add3A_578, %select_n3A_607 : i32
        %ne3A_609 = arith.constant 0 : i32
        %ne3A_610 = arith.cmpi ne, %rem3A_608, %ne3A_609 : i32
        %lt3A_611 = arith.constant 0 : i32
        %lt3A_612 = arith.cmpi slt, %rem3A_608, %lt3A_611 : i32
        %lt3A_613 = arith.constant 0 : i32
        %lt3A_614 = arith.cmpi slt, %select_n3A_607, %lt3A_613 : i32
        %ne3A_615 = arith.xori %lt3A_612, %lt3A_614 : i1
        %and3A_616 = arith.andi %ne3A_615, %ne3A_610 : i1
        %add3A_617 = arith.addi %rem3A_608, %select_n3A_607 : i32
        %select_n3A_618 = arith.select %and3A_616, %add3A_617, %rem3A_608 : i32
        %mul3A_619 = arith.constant 64 : i32
        %mul3A_620 = arith.muli %select_n3A_618, %mul3A_619 : i32
        %dma_start3A_621 = tpu.memref_slice %arg5[%select_n3A_602, %mul3A_620] : memref<50x128xi32, #tpu.memory_space<vmem>> -> memref<1x64xi32, #tpu.memory_space<vmem>>
        %dma_start3A_622 = tpu.memref_squeeze %dma_start3A_621 : memref<1x64xi32, #tpu.memory_space<vmem>> -> memref<64xi32, #tpu.memory_space<vmem>>
        %dma_start3A_623 = arith.constant 0 : i32
        %dma_start3A_624 = arith.constant 0 : i32
        %dma_start3A_625 = tpu.memref_slice %arg3[%dma_start3A_623, %dma_start3A_624] : memref<100000x128xf32, #tpu.memory_space<hbm>> -> memref<100000x128xf32, #tpu.memory_space<hbm>>
        tpu.enqueue_indirect_dma source(%dma_start3A_625 : memref<100000x128xf32, #tpu.memory_space<hbm>>) target(%arg7 : memref<64x128xf32, #tpu.memory_space<vmem>>) offsets(%dma_start3A_622 : memref<64xi32, #tpu.memory_space<vmem>>) semaphore(%arg17 : memref<!tpu.dma_semaphore, #tpu.memory_space<semaphore_mem>>)
      } else {
      }
      %mul3A_415 = arith.constant 10 : i32
      %mul3A_416 = arith.muli %mul3A_415, %scan3A_125 : i32
      %add3A_417 = arith.constant 5 : i32
      %add3A_418 = arith.addi %mul3A_416, %add3A_417 : i32
      %mul3A_419 = arith.constant 5 : i32
      %mul3A_420 = arith.muli %mul3A_419, %scan3A_125 : i32
      %add3A_421 = arith.constant 2 : i32
      %add3A_422 = arith.addi %mul3A_420, %add3A_421 : i32
      %dma_wait3A_423 = arith.constant 64 : i32
      %dma_wait3A_424 = tpu.memref_slice %arg5[%add3A_422, %dma_wait3A_423] : memref<50x128xi32, #tpu.memory_space<vmem>> -> memref<1x64xi32, #tpu.memory_space<vmem>>
      %dma_wait3A_425 = tpu.memref_squeeze %dma_wait3A_424 : memref<1x64xi32, #tpu.memory_space<vmem>> -> memref<64xi32, #tpu.memory_space<vmem>>
      %dma_wait3A_426 = arith.constant 0 : i32
      %dma_wait3A_427 = arith.constant 0 : i32
      %dma_wait3A_428 = tpu.memref_slice %arg3[%dma_wait3A_426, %dma_wait3A_427] : memref<100000x128xf32, #tpu.memory_space<hbm>> -> memref<100000x128xf32, #tpu.memory_space<hbm>>
      tpu.wait_indirect_dma semaphore(%arg21 : memref<!tpu.dma_semaphore, #tpu.memory_space<semaphore_mem>>) src(%dma_wait3A_428 : memref<100000x128xf32, #tpu.memory_space<hbm>>) dst(%arg11 : memref<64x128xf32, #tpu.memory_space<vmem>>)
      %mul3A_429 = arith.constant 5 : i32
      %mul3A_430 = arith.muli %mul3A_429, %scan3A_125 : i32
      %add3A_431 = arith.constant 2 : i32
      %add3A_432 = arith.addi %mul3A_430, %add3A_431 : i32
      %add3A_433 = arith.constant 64 : i32
      %add3A_434 = arith.addi %mul3A_2, %add3A_433 : i32
      %dma_start3A_435 = arith.constant 0 : i32
      %dma_start3A_436 = tpu.memref_slice %arg4[%add3A_432, %add3A_434, %dma_start3A_435] : memref<50x4096x128xf32, #tpu.memory_space<hbm>> -> memref<1x64x128xf32, #tpu.memory_space<hbm>>
      %dma_start3A_437 = tpu.memref_squeeze %dma_start3A_436 : memref<1x64x128xf32, #tpu.memory_space<hbm>> -> memref<64x128xf32, #tpu.memory_space<hbm>>
      %dma_start3A_438 = arith.constant 0 : i32
      %dma_start3A_439 = tpu.memref_slice %arg4[%add3A_432, %add3A_434, %dma_start3A_438] : memref<50x4096x128xf32, #tpu.memory_space<hbm>> -> memref<1x64x128xf32, #tpu.memory_space<hbm>>
      %dma_start3A_440 = tpu.memref_squeeze %dma_start3A_439 : memref<1x64x128xf32, #tpu.memory_space<hbm>> -> memref<64x128xf32, #tpu.memory_space<hbm>>
      tpu.enqueue_dma source(%arg11 : memref<64x128xf32, #tpu.memory_space<vmem>>) target(%dma_start3A_440 : memref<64x128xf32, #tpu.memory_space<hbm>>) target_semaphore(%arg31 : memref<!tpu.dma_semaphore, #tpu.memory_space<semaphore_mem>>)
      %lt3A_441 = arith.constant 9 : i32
      %lt3A_442 = arith.cmpi slt, %scan3A_125, %lt3A_441 : i32
      %convert_element_type3A_443 = arith.extui %lt3A_442 : i1 to i32
      %cond3A_444 = arith.constant 0 : i32
      %cond3A_445 = arith.cmpi ne, %convert_element_type3A_443, %cond3A_444 : i32
      scf.if %cond3A_445 {
        %dma_wait3A_570 = arith.constant 0 : i32
        %dma_wait3A_571 = arith.constant 0 : i32
        %dma_wait3A_572 = tpu.memref_slice %arg4[%dma_wait3A_570, %mul3A_2, %dma_wait3A_571] : memref<50x4096x128xf32, #tpu.memory_space<hbm>> -> memref<1x64x128xf32, #tpu.memory_space<hbm>>
        %dma_wait3A_573 = tpu.memref_squeeze %dma_wait3A_572 : memref<1x64x128xf32, #tpu.memory_space<hbm>> -> memref<64x128xf32, #tpu.memory_space<hbm>>
        %dma_wait3A_574 = arith.constant 0 : i32
        %dma_wait3A_575 = tpu.memref_slice %arg4[%dma_wait3A_570, %mul3A_2, %dma_wait3A_574] : memref<50x4096x128xf32, #tpu.memory_space<hbm>> -> memref<1x64x128xf32, #tpu.memory_space<hbm>>
        %dma_wait3A_576 = tpu.memref_squeeze %dma_wait3A_575 : memref<1x64x128xf32, #tpu.memory_space<hbm>> -> memref<64x128xf32, #tpu.memory_space<hbm>>
        tpu.wait_dma2 semaphore(%arg28 : memref<!tpu.dma_semaphore, #tpu.memory_space<semaphore_mem>>) src(%arg8 : memref<64x128xf32, #tpu.memory_space<vmem>>) dst(%dma_wait3A_576 : memref<64x128xf32, #tpu.memory_space<hbm>>)
        %add3A_577 = arith.constant 7 : i32
        %add3A_578 = arith.addi %add3A_418, %add3A_577 : i32
        %jit3A_579 = arith.constant 2 : i32
        %div3A_580 = arith.divsi %add3A_578, %jit3A_579 : i32
        %sign3A_581 = arith.constant 0 : i32
        %sign3A_582 = arith.cmpi sgt, %add3A_578, %sign3A_581 : i32
        %sign3A_583 = arith.extui %sign3A_582 : i1 to i32
        %sign3A_584 = arith.constant 0 : i32
        %sign3A_585 = arith.cmpi slt, %add3A_578, %sign3A_584 : i32
        %sign3A_586 = arith.extui %sign3A_585 : i1 to i32
        %sign3A_587 = arith.subi %sign3A_583, %sign3A_586 : i32
        %sign3A_588 = arith.constant 0 : i32
        %sign3A_589 = arith.cmpi sgt, %jit3A_579, %sign3A_588 : i32
        %sign3A_590 = arith.extui %sign3A_589 : i1 to i32
        %sign3A_591 = arith.constant 0 : i32
        %sign3A_592 = arith.cmpi slt, %jit3A_579, %sign3A_591 : i32
        %sign3A_593 = arith.extui %sign3A_592 : i1 to i32
        %sign3A_594 = arith.subi %sign3A_590, %sign3A_593 : i32
        %ne3A_595 = arith.cmpi ne, %sign3A_587, %sign3A_594 : i32
        %rem3A_596 = arith.remsi %add3A_578, %jit3A_579 : i32
        %ne3A_597 = arith.constant 0 : i32
        %ne3A_598 = arith.cmpi ne, %rem3A_596, %ne3A_597 : i32
        %and3A_599 = arith.andi %ne3A_595, %ne3A_598 : i1
        %sub3A_600 = arith.constant 1 : i32
        %sub3A_601 = arith.subi %div3A_580, %sub3A_600 : i32
        %select_n3A_602 = arith.select %and3A_599, %sub3A_601, %div3A_580 : i32
        %jit3A_603 = arith.constant 2 : i32
        %eq3A_604 = arith.constant 0 : i32
        %eq3A_605 = arith.cmpi eq, %jit3A_603, %eq3A_604 : i32
        %jit3A_606 = arith.constant 1 : i32
        %select_n3A_607 = arith.select %eq3A_605, %jit3A_606, %jit3A_603 : i32
        %rem3A_608 = arith.remsi %add3A_578, %select_n3A_607 : i32
        %ne3A_609 = arith.constant 0 : i32
        %ne3A_610 = arith.cmpi ne, %rem3A_608, %ne3A_609 : i32
        %lt3A_611 = arith.constant 0 : i32
        %lt3A_612 = arith.cmpi slt, %rem3A_608, %lt3A_611 : i32
        %lt3A_613 = arith.constant 0 : i32
        %lt3A_614 = arith.cmpi slt, %select_n3A_607, %lt3A_613 : i32
        %ne3A_615 = arith.xori %lt3A_612, %lt3A_614 : i1
        %and3A_616 = arith.andi %ne3A_615, %ne3A_610 : i1
        %add3A_617 = arith.addi %rem3A_608, %select_n3A_607 : i32
        %select_n3A_618 = arith.select %and3A_616, %add3A_617, %rem3A_608 : i32
        %mul3A_619 = arith.constant 64 : i32
        %mul3A_620 = arith.muli %select_n3A_618, %mul3A_619 : i32
        %dma_start3A_621 = tpu.memref_slice %arg5[%select_n3A_602, %mul3A_620] : memref<50x128xi32, #tpu.memory_space<vmem>> -> memref<1x64xi32, #tpu.memory_space<vmem>>
        %dma_start3A_622 = tpu.memref_squeeze %dma_start3A_621 : memref<1x64xi32, #tpu.memory_space<vmem>> -> memref<64xi32, #tpu.memory_space<vmem>>
        %dma_start3A_623 = arith.constant 0 : i32
        %dma_start3A_624 = arith.constant 0 : i32
        %dma_start3A_625 = tpu.memref_slice %arg3[%dma_start3A_623, %dma_start3A_624] : memref<100000x128xf32, #tpu.memory_space<hbm>> -> memref<100000x128xf32, #tpu.memory_space<hbm>>
        tpu.enqueue_indirect_dma source(%dma_start3A_625 : memref<100000x128xf32, #tpu.memory_space<hbm>>) target(%arg8 : memref<64x128xf32, #tpu.memory_space<vmem>>) offsets(%dma_start3A_622 : memref<64xi32, #tpu.memory_space<vmem>>) semaphore(%arg18 : memref<!tpu.dma_semaphore, #tpu.memory_space<semaphore_mem>>)
      } else {
      }
      %mul3A_446 = arith.constant 10 : i32
      %mul3A_447 = arith.muli %mul3A_446, %scan3A_125 : i32
      %add3A_448 = arith.constant 6 : i32
      %add3A_449 = arith.addi %mul3A_447, %add3A_448 : i32
      %mul3A_450 = arith.constant 5 : i32
      %mul3A_451 = arith.muli %mul3A_450, %scan3A_125 : i32
      %add3A_452 = arith.constant 3 : i32
      %add3A_453 = arith.addi %mul3A_451, %add3A_452 : i32
      %dma_wait3A_454 = arith.constant 0 : i32
      %dma_wait3A_455 = tpu.memref_slice %arg5[%add3A_453, %dma_wait3A_454] : memref<50x128xi32, #tpu.memory_space<vmem>> -> memref<1x64xi32, #tpu.memory_space<vmem>>
      %dma_wait3A_456 = tpu.memref_squeeze %dma_wait3A_455 : memref<1x64xi32, #tpu.memory_space<vmem>> -> memref<64xi32, #tpu.memory_space<vmem>>
      %dma_wait3A_457 = arith.constant 0 : i32
      %dma_wait3A_458 = arith.constant 0 : i32
      %dma_wait3A_459 = tpu.memref_slice %arg3[%dma_wait3A_457, %dma_wait3A_458] : memref<100000x128xf32, #tpu.memory_space<hbm>> -> memref<100000x128xf32, #tpu.memory_space<hbm>>
      tpu.wait_indirect_dma semaphore(%arg22 : memref<!tpu.dma_semaphore, #tpu.memory_space<semaphore_mem>>) src(%dma_wait3A_459 : memref<100000x128xf32, #tpu.memory_space<hbm>>) dst(%arg12 : memref<64x128xf32, #tpu.memory_space<vmem>>)
      %mul3A_460 = arith.constant 5 : i32
      %mul3A_461 = arith.muli %mul3A_460, %scan3A_125 : i32
      %add3A_462 = arith.constant 3 : i32
      %add3A_463 = arith.addi %mul3A_461, %add3A_462 : i32
      %add3A_464 = arith.constant 0 : i32
      %add3A_465 = arith.addi %mul3A_2, %add3A_464 : i32
      %dma_start3A_466 = arith.constant 0 : i32
      %dma_start3A_467 = tpu.memref_slice %arg4[%add3A_463, %add3A_465, %dma_start3A_466] : memref<50x4096x128xf32, #tpu.memory_space<hbm>> -> memref<1x64x128xf32, #tpu.memory_space<hbm>>
      %dma_start3A_468 = tpu.memref_squeeze %dma_start3A_467 : memref<1x64x128xf32, #tpu.memory_space<hbm>> -> memref<64x128xf32, #tpu.memory_space<hbm>>
      %dma_start3A_469 = arith.constant 0 : i32
      %dma_start3A_470 = tpu.memref_slice %arg4[%add3A_463, %add3A_465, %dma_start3A_469] : memref<50x4096x128xf32, #tpu.memory_space<hbm>> -> memref<1x64x128xf32, #tpu.memory_space<hbm>>
      %dma_start3A_471 = tpu.memref_squeeze %dma_start3A_470 : memref<1x64x128xf32, #tpu.memory_space<hbm>> -> memref<64x128xf32, #tpu.memory_space<hbm>>
      tpu.enqueue_dma source(%arg12 : memref<64x128xf32, #tpu.memory_space<vmem>>) target(%dma_start3A_471 : memref<64x128xf32, #tpu.memory_space<hbm>>) target_semaphore(%arg32 : memref<!tpu.dma_semaphore, #tpu.memory_space<semaphore_mem>>)
      %lt3A_472 = arith.constant 9 : i32
      %lt3A_473 = arith.cmpi slt, %scan3A_125, %lt3A_472 : i32
      %convert_element_type3A_474 = arith.extui %lt3A_473 : i1 to i32
      %cond3A_475 = arith.constant 0 : i32
      %cond3A_476 = arith.cmpi ne, %convert_element_type3A_474, %cond3A_475 : i32
      scf.if %cond3A_476 {
        %dma_wait3A_570 = arith.constant 0 : i32
        %dma_wait3A_571 = arith.constant 0 : i32
        %dma_wait3A_572 = tpu.memref_slice %arg4[%dma_wait3A_570, %mul3A_2, %dma_wait3A_571] : memref<50x4096x128xf32, #tpu.memory_space<hbm>> -> memref<1x64x128xf32, #tpu.memory_space<hbm>>
        %dma_wait3A_573 = tpu.memref_squeeze %dma_wait3A_572 : memref<1x64x128xf32, #tpu.memory_space<hbm>> -> memref<64x128xf32, #tpu.memory_space<hbm>>
        %dma_wait3A_574 = arith.constant 0 : i32
        %dma_wait3A_575 = tpu.memref_slice %arg4[%dma_wait3A_570, %mul3A_2, %dma_wait3A_574] : memref<50x4096x128xf32, #tpu.memory_space<hbm>> -> memref<1x64x128xf32, #tpu.memory_space<hbm>>
        %dma_wait3A_576 = tpu.memref_squeeze %dma_wait3A_575 : memref<1x64x128xf32, #tpu.memory_space<hbm>> -> memref<64x128xf32, #tpu.memory_space<hbm>>
        tpu.wait_dma2 semaphore(%arg29 : memref<!tpu.dma_semaphore, #tpu.memory_space<semaphore_mem>>) src(%arg9 : memref<64x128xf32, #tpu.memory_space<vmem>>) dst(%dma_wait3A_576 : memref<64x128xf32, #tpu.memory_space<hbm>>)
        %add3A_577 = arith.constant 7 : i32
        %add3A_578 = arith.addi %add3A_449, %add3A_577 : i32
        %jit3A_579 = arith.constant 2 : i32
        %div3A_580 = arith.divsi %add3A_578, %jit3A_579 : i32
        %sign3A_581 = arith.constant 0 : i32
        %sign3A_582 = arith.cmpi sgt, %add3A_578, %sign3A_581 : i32
        %sign3A_583 = arith.extui %sign3A_582 : i1 to i32
        %sign3A_584 = arith.constant 0 : i32
        %sign3A_585 = arith.cmpi slt, %add3A_578, %sign3A_584 : i32
        %sign3A_586 = arith.extui %sign3A_585 : i1 to i32
        %sign3A_587 = arith.subi %sign3A_583, %sign3A_586 : i32
        %sign3A_588 = arith.constant 0 : i32
        %sign3A_589 = arith.cmpi sgt, %jit3A_579, %sign3A_588 : i32
        %sign3A_590 = arith.extui %sign3A_589 : i1 to i32
        %sign3A_591 = arith.constant 0 : i32
        %sign3A_592 = arith.cmpi slt, %jit3A_579, %sign3A_591 : i32
        %sign3A_593 = arith.extui %sign3A_592 : i1 to i32
        %sign3A_594 = arith.subi %sign3A_590, %sign3A_593 : i32
        %ne3A_595 = arith.cmpi ne, %sign3A_587, %sign3A_594 : i32
        %rem3A_596 = arith.remsi %add3A_578, %jit3A_579 : i32
        %ne3A_597 = arith.constant 0 : i32
        %ne3A_598 = arith.cmpi ne, %rem3A_596, %ne3A_597 : i32
        %and3A_599 = arith.andi %ne3A_595, %ne3A_598 : i1
        %sub3A_600 = arith.constant 1 : i32
        %sub3A_601 = arith.subi %div3A_580, %sub3A_600 : i32
        %select_n3A_602 = arith.select %and3A_599, %sub3A_601, %div3A_580 : i32
        %jit3A_603 = arith.constant 2 : i32
        %eq3A_604 = arith.constant 0 : i32
        %eq3A_605 = arith.cmpi eq, %jit3A_603, %eq3A_604 : i32
        %jit3A_606 = arith.constant 1 : i32
        %select_n3A_607 = arith.select %eq3A_605, %jit3A_606, %jit3A_603 : i32
        %rem3A_608 = arith.remsi %add3A_578, %select_n3A_607 : i32
        %ne3A_609 = arith.constant 0 : i32
        %ne3A_610 = arith.cmpi ne, %rem3A_608, %ne3A_609 : i32
        %lt3A_611 = arith.constant 0 : i32
        %lt3A_612 = arith.cmpi slt, %rem3A_608, %lt3A_611 : i32
        %lt3A_613 = arith.constant 0 : i32
        %lt3A_614 = arith.cmpi slt, %select_n3A_607, %lt3A_613 : i32
        %ne3A_615 = arith.xori %lt3A_612, %lt3A_614 : i1
        %and3A_616 = arith.andi %ne3A_615, %ne3A_610 : i1
        %add3A_617 = arith.addi %rem3A_608, %select_n3A_607 : i32
        %select_n3A_618 = arith.select %and3A_616, %add3A_617, %rem3A_608 : i32
        %mul3A_619 = arith.constant 64 : i32
        %mul3A_620 = arith.muli %select_n3A_618, %mul3A_619 : i32
        %dma_start3A_621 = tpu.memref_slice %arg5[%select_n3A_602, %mul3A_620] : memref<50x128xi32, #tpu.memory_space<vmem>> -> memref<1x64xi32, #tpu.memory_space<vmem>>
        %dma_start3A_622 = tpu.memref_squeeze %dma_start3A_621 : memref<1x64xi32, #tpu.memory_space<vmem>> -> memref<64xi32, #tpu.memory_space<vmem>>
        %dma_start3A_623 = arith.constant 0 : i32
        %dma_start3A_624 = arith.constant 0 : i32
        %dma_start3A_625 = tpu.memref_slice %arg3[%dma_start3A_623, %dma_start3A_624] : memref<100000x128xf32, #tpu.memory_space<hbm>> -> memref<100000x128xf32, #tpu.memory_space<hbm>>
        tpu.enqueue_indirect_dma source(%dma_start3A_625 : memref<100000x128xf32, #tpu.memory_space<hbm>>) target(%arg9 : memref<64x128xf32, #tpu.memory_space<vmem>>) offsets(%dma_start3A_622 : memref<64xi32, #tpu.memory_space<vmem>>) semaphore(%arg19 : memref<!tpu.dma_semaphore, #tpu.memory_space<semaphore_mem>>)
      } else {
      }
      %mul3A_477 = arith.constant 10 : i32
      %mul3A_478 = arith.muli %mul3A_477, %scan3A_125 : i32
      %add3A_479 = arith.constant 7 : i32
      %add3A_480 = arith.addi %mul3A_478, %add3A_479 : i32
      %mul3A_481 = arith.constant 5 : i32
      %mul3A_482 = arith.muli %mul3A_481, %scan3A_125 : i32
      %add3A_483 = arith.constant 3 : i32
      %add3A_484 = arith.addi %mul3A_482, %add3A_483 : i32
      %dma_wait3A_485 = arith.constant 64 : i32
      %dma_wait3A_486 = tpu.memref_slice %arg5[%add3A_484, %dma_wait3A_485] : memref<50x128xi32, #tpu.memory_space<vmem>> -> memref<1x64xi32, #tpu.memory_space<vmem>>
      %dma_wait3A_487 = tpu.memref_squeeze %dma_wait3A_486 : memref<1x64xi32, #tpu.memory_space<vmem>> -> memref<64xi32, #tpu.memory_space<vmem>>
      %dma_wait3A_488 = arith.constant 0 : i32
      %dma_wait3A_489 = arith.constant 0 : i32
      %dma_wait3A_490 = tpu.memref_slice %arg3[%dma_wait3A_488, %dma_wait3A_489] : memref<100000x128xf32, #tpu.memory_space<hbm>> -> memref<100000x128xf32, #tpu.memory_space<hbm>>
      tpu.wait_indirect_dma semaphore(%arg23 : memref<!tpu.dma_semaphore, #tpu.memory_space<semaphore_mem>>) src(%dma_wait3A_490 : memref<100000x128xf32, #tpu.memory_space<hbm>>) dst(%arg13 : memref<64x128xf32, #tpu.memory_space<vmem>>)
      %mul3A_491 = arith.constant 5 : i32
      %mul3A_492 = arith.muli %mul3A_491, %scan3A_125 : i32
      %add3A_493 = arith.constant 3 : i32
      %add3A_494 = arith.addi %mul3A_492, %add3A_493 : i32
      %add3A_495 = arith.constant 64 : i32
      %add3A_496 = arith.addi %mul3A_2, %add3A_495 : i32
      %dma_start3A_497 = arith.constant 0 : i32
      %dma_start3A_498 = tpu.memref_slice %arg4[%add3A_494, %add3A_496, %dma_start3A_497] : memref<50x4096x128xf32, #tpu.memory_space<hbm>> -> memref<1x64x128xf32, #tpu.memory_space<hbm>>
      %dma_start3A_499 = tpu.memref_squeeze %dma_start3A_498 : memref<1x64x128xf32, #tpu.memory_space<hbm>> -> memref<64x128xf32, #tpu.memory_space<hbm>>
      %dma_start3A_500 = arith.constant 0 : i32
      %dma_start3A_501 = tpu.memref_slice %arg4[%add3A_494, %add3A_496, %dma_start3A_500] : memref<50x4096x128xf32, #tpu.memory_space<hbm>> -> memref<1x64x128xf32, #tpu.memory_space<hbm>>
      %dma_start3A_502 = tpu.memref_squeeze %dma_start3A_501 : memref<1x64x128xf32, #tpu.memory_space<hbm>> -> memref<64x128xf32, #tpu.memory_space<hbm>>
      tpu.enqueue_dma source(%arg13 : memref<64x128xf32, #tpu.memory_space<vmem>>) target(%dma_start3A_502 : memref<64x128xf32, #tpu.memory_space<hbm>>) target_semaphore(%arg33 : memref<!tpu.dma_semaphore, #tpu.memory_space<semaphore_mem>>)
      %lt3A_503 = arith.constant 9 : i32
      %lt3A_504 = arith.cmpi slt, %scan3A_125, %lt3A_503 : i32
      %convert_element_type3A_505 = arith.extui %lt3A_504 : i1 to i32
      %cond3A_506 = arith.constant 0 : i32
      %cond3A_507 = arith.cmpi ne, %convert_element_type3A_505, %cond3A_506 : i32
      scf.if %cond3A_507 {
        %dma_wait3A_570 = arith.constant 0 : i32
        %dma_wait3A_571 = arith.constant 0 : i32
        %dma_wait3A_572 = tpu.memref_slice %arg4[%dma_wait3A_570, %mul3A_2, %dma_wait3A_571] : memref<50x4096x128xf32, #tpu.memory_space<hbm>> -> memref<1x64x128xf32, #tpu.memory_space<hbm>>
        %dma_wait3A_573 = tpu.memref_squeeze %dma_wait3A_572 : memref<1x64x128xf32, #tpu.memory_space<hbm>> -> memref<64x128xf32, #tpu.memory_space<hbm>>
        %dma_wait3A_574 = arith.constant 0 : i32
        %dma_wait3A_575 = tpu.memref_slice %arg4[%dma_wait3A_570, %mul3A_2, %dma_wait3A_574] : memref<50x4096x128xf32, #tpu.memory_space<hbm>> -> memref<1x64x128xf32, #tpu.memory_space<hbm>>
        %dma_wait3A_576 = tpu.memref_squeeze %dma_wait3A_575 : memref<1x64x128xf32, #tpu.memory_space<hbm>> -> memref<64x128xf32, #tpu.memory_space<hbm>>
        tpu.wait_dma2 semaphore(%arg30 : memref<!tpu.dma_semaphore, #tpu.memory_space<semaphore_mem>>) src(%arg10 : memref<64x128xf32, #tpu.memory_space<vmem>>) dst(%dma_wait3A_576 : memref<64x128xf32, #tpu.memory_space<hbm>>)
        %add3A_577 = arith.constant 7 : i32
        %add3A_578 = arith.addi %add3A_480, %add3A_577 : i32
        %jit3A_579 = arith.constant 2 : i32
        %div3A_580 = arith.divsi %add3A_578, %jit3A_579 : i32
        %sign3A_581 = arith.constant 0 : i32
        %sign3A_582 = arith.cmpi sgt, %add3A_578, %sign3A_581 : i32
        %sign3A_583 = arith.extui %sign3A_582 : i1 to i32
        %sign3A_584 = arith.constant 0 : i32
        %sign3A_585 = arith.cmpi slt, %add3A_578, %sign3A_584 : i32
        %sign3A_586 = arith.extui %sign3A_585 : i1 to i32
        %sign3A_587 = arith.subi %sign3A_583, %sign3A_586 : i32
        %sign3A_588 = arith.constant 0 : i32
        %sign3A_589 = arith.cmpi sgt, %jit3A_579, %sign3A_588 : i32
        %sign3A_590 = arith.extui %sign3A_589 : i1 to i32
        %sign3A_591 = arith.constant 0 : i32
        %sign3A_592 = arith.cmpi slt, %jit3A_579, %sign3A_591 : i32
        %sign3A_593 = arith.extui %sign3A_592 : i1 to i32
        %sign3A_594 = arith.subi %sign3A_590, %sign3A_593 : i32
        %ne3A_595 = arith.cmpi ne, %sign3A_587, %sign3A_594 : i32
        %rem3A_596 = arith.remsi %add3A_578, %jit3A_579 : i32
        %ne3A_597 = arith.constant 0 : i32
        %ne3A_598 = arith.cmpi ne, %rem3A_596, %ne3A_597 : i32
        %and3A_599 = arith.andi %ne3A_595, %ne3A_598 : i1
        %sub3A_600 = arith.constant 1 : i32
        %sub3A_601 = arith.subi %div3A_580, %sub3A_600 : i32
        %select_n3A_602 = arith.select %and3A_599, %sub3A_601, %div3A_580 : i32
        %jit3A_603 = arith.constant 2 : i32
        %eq3A_604 = arith.constant 0 : i32
        %eq3A_605 = arith.cmpi eq, %jit3A_603, %eq3A_604 : i32
        %jit3A_606 = arith.constant 1 : i32
        %select_n3A_607 = arith.select %eq3A_605, %jit3A_606, %jit3A_603 : i32
        %rem3A_608 = arith.remsi %add3A_578, %select_n3A_607 : i32
        %ne3A_609 = arith.constant 0 : i32
        %ne3A_610 = arith.cmpi ne, %rem3A_608, %ne3A_609 : i32
        %lt3A_611 = arith.constant 0 : i32
        %lt3A_612 = arith.cmpi slt, %rem3A_608, %lt3A_611 : i32
        %lt3A_613 = arith.constant 0 : i32
        %lt3A_614 = arith.cmpi slt, %select_n3A_607, %lt3A_613 : i32
        %ne3A_615 = arith.xori %lt3A_612, %lt3A_614 : i1
        %and3A_616 = arith.andi %ne3A_615, %ne3A_610 : i1
        %add3A_617 = arith.addi %rem3A_608, %select_n3A_607 : i32
        %select_n3A_618 = arith.select %and3A_616, %add3A_617, %rem3A_608 : i32
        %mul3A_619 = arith.constant 64 : i32
        %mul3A_620 = arith.muli %select_n3A_618, %mul3A_619 : i32
        %dma_start3A_621 = tpu.memref_slice %arg5[%select_n3A_602, %mul3A_620] : memref<50x128xi32, #tpu.memory_space<vmem>> -> memref<1x64xi32, #tpu.memory_space<vmem>>
        %dma_start3A_622 = tpu.memref_squeeze %dma_start3A_621 : memref<1x64xi32, #tpu.memory_space<vmem>> -> memref<64xi32, #tpu.memory_space<vmem>>
        %dma_start3A_623 = arith.constant 0 : i32
        %dma_start3A_624 = arith.constant 0 : i32
        %dma_start3A_625 = tpu.memref_slice %arg3[%dma_start3A_623, %dma_start3A_624] : memref<100000x128xf32, #tpu.memory_space<hbm>> -> memref<100000x128xf32, #tpu.memory_space<hbm>>
        tpu.enqueue_indirect_dma source(%dma_start3A_625 : memref<100000x128xf32, #tpu.memory_space<hbm>>) target(%arg10 : memref<64x128xf32, #tpu.memory_space<vmem>>) offsets(%dma_start3A_622 : memref<64xi32, #tpu.memory_space<vmem>>) semaphore(%arg20 : memref<!tpu.dma_semaphore, #tpu.memory_space<semaphore_mem>>)
      } else {
      }
      %mul3A_508 = arith.constant 10 : i32
      %mul3A_509 = arith.muli %mul3A_508, %scan3A_125 : i32
      %add3A_510 = arith.constant 8 : i32
      %add3A_511 = arith.addi %mul3A_509, %add3A_510 : i32
      %mul3A_512 = arith.constant 5 : i32
      %mul3A_513 = arith.muli %mul3A_512, %scan3A_125 : i32
      %add3A_514 = arith.constant 4 : i32
      %add3A_515 = arith.addi %mul3A_513, %add3A_514 : i32
      %dma_wait3A_516 = arith.constant 0 : i32
      %dma_wait3A_517 = tpu.memref_slice %arg5[%add3A_515, %dma_wait3A_516] : memref<50x128xi32, #tpu.memory_space<vmem>> -> memref<1x64xi32, #tpu.memory_space<vmem>>
      %dma_wait3A_518 = tpu.memref_squeeze %dma_wait3A_517 : memref<1x64xi32, #tpu.memory_space<vmem>> -> memref<64xi32, #tpu.memory_space<vmem>>
      %dma_wait3A_519 = arith.constant 0 : i32
      %dma_wait3A_520 = arith.constant 0 : i32
      %dma_wait3A_521 = tpu.memref_slice %arg3[%dma_wait3A_519, %dma_wait3A_520] : memref<100000x128xf32, #tpu.memory_space<hbm>> -> memref<100000x128xf32, #tpu.memory_space<hbm>>
      tpu.wait_indirect_dma semaphore(%arg24 : memref<!tpu.dma_semaphore, #tpu.memory_space<semaphore_mem>>) src(%dma_wait3A_521 : memref<100000x128xf32, #tpu.memory_space<hbm>>) dst(%arg14 : memref<64x128xf32, #tpu.memory_space<vmem>>)
      %mul3A_522 = arith.constant 5 : i32
      %mul3A_523 = arith.muli %mul3A_522, %scan3A_125 : i32
      %add3A_524 = arith.constant 4 : i32
      %add3A_525 = arith.addi %mul3A_523, %add3A_524 : i32
      %add3A_526 = arith.constant 0 : i32
      %add3A_527 = arith.addi %mul3A_2, %add3A_526 : i32
      %dma_start3A_528 = arith.constant 0 : i32
      %dma_start3A_529 = tpu.memref_slice %arg4[%add3A_525, %add3A_527, %dma_start3A_528] : memref<50x4096x128xf32, #tpu.memory_space<hbm>> -> memref<1x64x128xf32, #tpu.memory_space<hbm>>
      %dma_start3A_530 = tpu.memref_squeeze %dma_start3A_529 : memref<1x64x128xf32, #tpu.memory_space<hbm>> -> memref<64x128xf32, #tpu.memory_space<hbm>>
      %dma_start3A_531 = arith.constant 0 : i32
      %dma_start3A_532 = tpu.memref_slice %arg4[%add3A_525, %add3A_527, %dma_start3A_531] : memref<50x4096x128xf32, #tpu.memory_space<hbm>> -> memref<1x64x128xf32, #tpu.memory_space<hbm>>
      %dma_start3A_533 = tpu.memref_squeeze %dma_start3A_532 : memref<1x64x128xf32, #tpu.memory_space<hbm>> -> memref<64x128xf32, #tpu.memory_space<hbm>>
      tpu.enqueue_dma source(%arg14 : memref<64x128xf32, #tpu.memory_space<vmem>>) target(%dma_start3A_533 : memref<64x128xf32, #tpu.memory_space<hbm>>) target_semaphore(%arg34 : memref<!tpu.dma_semaphore, #tpu.memory_space<semaphore_mem>>)
      %lt3A_534 = arith.constant 9 : i32
      %lt3A_535 = arith.cmpi slt, %scan3A_125, %lt3A_534 : i32
      %convert_element_type3A_536 = arith.extui %lt3A_535 : i1 to i32
      %cond3A_537 = arith.constant 0 : i32
      %cond3A_538 = arith.cmpi ne, %convert_element_type3A_536, %cond3A_537 : i32
      scf.if %cond3A_538 {
        %dma_wait3A_570 = arith.constant 0 : i32
        %dma_wait3A_571 = arith.constant 0 : i32
        %dma_wait3A_572 = tpu.memref_slice %arg4[%dma_wait3A_570, %mul3A_2, %dma_wait3A_571] : memref<50x4096x128xf32, #tpu.memory_space<hbm>> -> memref<1x64x128xf32, #tpu.memory_space<hbm>>
        %dma_wait3A_573 = tpu.memref_squeeze %dma_wait3A_572 : memref<1x64x128xf32, #tpu.memory_space<hbm>> -> memref<64x128xf32, #tpu.memory_space<hbm>>
        %dma_wait3A_574 = arith.constant 0 : i32
        %dma_wait3A_575 = tpu.memref_slice %arg4[%dma_wait3A_570, %mul3A_2, %dma_wait3A_574] : memref<50x4096x128xf32, #tpu.memory_space<hbm>> -> memref<1x64x128xf32, #tpu.memory_space<hbm>>
        %dma_wait3A_576 = tpu.memref_squeeze %dma_wait3A_575 : memref<1x64x128xf32, #tpu.memory_space<hbm>> -> memref<64x128xf32, #tpu.memory_space<hbm>>
        tpu.wait_dma2 semaphore(%arg31 : memref<!tpu.dma_semaphore, #tpu.memory_space<semaphore_mem>>) src(%arg11 : memref<64x128xf32, #tpu.memory_space<vmem>>) dst(%dma_wait3A_576 : memref<64x128xf32, #tpu.memory_space<hbm>>)
        %add3A_577 = arith.constant 7 : i32
        %add3A_578 = arith.addi %add3A_511, %add3A_577 : i32
        %jit3A_579 = arith.constant 2 : i32
        %div3A_580 = arith.divsi %add3A_578, %jit3A_579 : i32
        %sign3A_581 = arith.constant 0 : i32
        %sign3A_582 = arith.cmpi sgt, %add3A_578, %sign3A_581 : i32
        %sign3A_583 = arith.extui %sign3A_582 : i1 to i32
        %sign3A_584 = arith.constant 0 : i32
        %sign3A_585 = arith.cmpi slt, %add3A_578, %sign3A_584 : i32
        %sign3A_586 = arith.extui %sign3A_585 : i1 to i32
        %sign3A_587 = arith.subi %sign3A_583, %sign3A_586 : i32
        %sign3A_588 = arith.constant 0 : i32
        %sign3A_589 = arith.cmpi sgt, %jit3A_579, %sign3A_588 : i32
        %sign3A_590 = arith.extui %sign3A_589 : i1 to i32
        %sign3A_591 = arith.constant 0 : i32
        %sign3A_592 = arith.cmpi slt, %jit3A_579, %sign3A_591 : i32
        %sign3A_593 = arith.extui %sign3A_592 : i1 to i32
        %sign3A_594 = arith.subi %sign3A_590, %sign3A_593 : i32
        %ne3A_595 = arith.cmpi ne, %sign3A_587, %sign3A_594 : i32
        %rem3A_596 = arith.remsi %add3A_578, %jit3A_579 : i32
        %ne3A_597 = arith.constant 0 : i32
        %ne3A_598 = arith.cmpi ne, %rem3A_596, %ne3A_597 : i32
        %and3A_599 = arith.andi %ne3A_595, %ne3A_598 : i1
        %sub3A_600 = arith.constant 1 : i32
        %sub3A_601 = arith.subi %div3A_580, %sub3A_600 : i32
        %select_n3A_602 = arith.select %and3A_599, %sub3A_601, %div3A_580 : i32
        %jit3A_603 = arith.constant 2 : i32
        %eq3A_604 = arith.constant 0 : i32
        %eq3A_605 = arith.cmpi eq, %jit3A_603, %eq3A_604 : i32
        %jit3A_606 = arith.constant 1 : i32
        %select_n3A_607 = arith.select %eq3A_605, %jit3A_606, %jit3A_603 : i32
        %rem3A_608 = arith.remsi %add3A_578, %select_n3A_607 : i32
        %ne3A_609 = arith.constant 0 : i32
        %ne3A_610 = arith.cmpi ne, %rem3A_608, %ne3A_609 : i32
        %lt3A_611 = arith.constant 0 : i32
        %lt3A_612 = arith.cmpi slt, %rem3A_608, %lt3A_611 : i32
        %lt3A_613 = arith.constant 0 : i32
        %lt3A_614 = arith.cmpi slt, %select_n3A_607, %lt3A_613 : i32
        %ne3A_615 = arith.xori %lt3A_612, %lt3A_614 : i1
        %and3A_616 = arith.andi %ne3A_615, %ne3A_610 : i1
        %add3A_617 = arith.addi %rem3A_608, %select_n3A_607 : i32
        %select_n3A_618 = arith.select %and3A_616, %add3A_617, %rem3A_608 : i32
        %mul3A_619 = arith.constant 64 : i32
        %mul3A_620 = arith.muli %select_n3A_618, %mul3A_619 : i32
        %dma_start3A_621 = tpu.memref_slice %arg5[%select_n3A_602, %mul3A_620] : memref<50x128xi32, #tpu.memory_space<vmem>> -> memref<1x64xi32, #tpu.memory_space<vmem>>
        %dma_start3A_622 = tpu.memref_squeeze %dma_start3A_621 : memref<1x64xi32, #tpu.memory_space<vmem>> -> memref<64xi32, #tpu.memory_space<vmem>>
        %dma_start3A_623 = arith.constant 0 : i32
        %dma_start3A_624 = arith.constant 0 : i32
        %dma_start3A_625 = tpu.memref_slice %arg3[%dma_start3A_623, %dma_start3A_624] : memref<100000x128xf32, #tpu.memory_space<hbm>> -> memref<100000x128xf32, #tpu.memory_space<hbm>>
        tpu.enqueue_indirect_dma source(%dma_start3A_625 : memref<100000x128xf32, #tpu.memory_space<hbm>>) target(%arg11 : memref<64x128xf32, #tpu.memory_space<vmem>>) offsets(%dma_start3A_622 : memref<64xi32, #tpu.memory_space<vmem>>) semaphore(%arg21 : memref<!tpu.dma_semaphore, #tpu.memory_space<semaphore_mem>>)
      } else {
      }
      %mul3A_539 = arith.constant 10 : i32
      %mul3A_540 = arith.muli %mul3A_539, %scan3A_125 : i32
      %add3A_541 = arith.constant 9 : i32
      %add3A_542 = arith.addi %mul3A_540, %add3A_541 : i32
      %mul3A_543 = arith.constant 5 : i32
      %mul3A_544 = arith.muli %mul3A_543, %scan3A_125 : i32
      %add3A_545 = arith.constant 4 : i32
      %add3A_546 = arith.addi %mul3A_544, %add3A_545 : i32
      %dma_wait3A_547 = arith.constant 64 : i32
      %dma_wait3A_548 = tpu.memref_slice %arg5[%add3A_546, %dma_wait3A_547] : memref<50x128xi32, #tpu.memory_space<vmem>> -> memref<1x64xi32, #tpu.memory_space<vmem>>
      %dma_wait3A_549 = tpu.memref_squeeze %dma_wait3A_548 : memref<1x64xi32, #tpu.memory_space<vmem>> -> memref<64xi32, #tpu.memory_space<vmem>>
      %dma_wait3A_550 = arith.constant 0 : i32
      %dma_wait3A_551 = arith.constant 0 : i32
      %dma_wait3A_552 = tpu.memref_slice %arg3[%dma_wait3A_550, %dma_wait3A_551] : memref<100000x128xf32, #tpu.memory_space<hbm>> -> memref<100000x128xf32, #tpu.memory_space<hbm>>
      tpu.wait_indirect_dma semaphore(%arg25 : memref<!tpu.dma_semaphore, #tpu.memory_space<semaphore_mem>>) src(%dma_wait3A_552 : memref<100000x128xf32, #tpu.memory_space<hbm>>) dst(%arg15 : memref<64x128xf32, #tpu.memory_space<vmem>>)
      %mul3A_553 = arith.constant 5 : i32
      %mul3A_554 = arith.muli %mul3A_553, %scan3A_125 : i32
      %add3A_555 = arith.constant 4 : i32
      %add3A_556 = arith.addi %mul3A_554, %add3A_555 : i32
      %add3A_557 = arith.constant 64 : i32
      %add3A_558 = arith.addi %mul3A_2, %add3A_557 : i32
      %dma_start3A_559 = arith.constant 0 : i32
      %dma_start3A_560 = tpu.memref_slice %arg4[%add3A_556, %add3A_558, %dma_start3A_559] : memref<50x4096x128xf32, #tpu.memory_space<hbm>> -> memref<1x64x128xf32, #tpu.memory_space<hbm>>
      %dma_start3A_561 = tpu.memref_squeeze %dma_start3A_560 : memref<1x64x128xf32, #tpu.memory_space<hbm>> -> memref<64x128xf32, #tpu.memory_space<hbm>>
      %dma_start3A_562 = arith.constant 0 : i32
      %dma_start3A_563 = tpu.memref_slice %arg4[%add3A_556, %add3A_558, %dma_start3A_562] : memref<50x4096x128xf32, #tpu.memory_space<hbm>> -> memref<1x64x128xf32, #tpu.memory_space<hbm>>
      %dma_start3A_564 = tpu.memref_squeeze %dma_start3A_563 : memref<1x64x128xf32, #tpu.memory_space<hbm>> -> memref<64x128xf32, #tpu.memory_space<hbm>>
      tpu.enqueue_dma source(%arg15 : memref<64x128xf32, #tpu.memory_space<vmem>>) target(%dma_start3A_564 : memref<64x128xf32, #tpu.memory_space<hbm>>) target_semaphore(%arg35 : memref<!tpu.dma_semaphore, #tpu.memory_space<semaphore_mem>>)
      %lt3A_565 = arith.constant 9 : i32
      %lt3A_566 = arith.cmpi slt, %scan3A_125, %lt3A_565 : i32
      %convert_element_type3A_567 = arith.extui %lt3A_566 : i1 to i32
      %cond3A_568 = arith.constant 0 : i32
      %cond3A_569 = arith.cmpi ne, %convert_element_type3A_567, %cond3A_568 : i32
      scf.if %cond3A_569 {
        %dma_wait3A_570 = arith.constant 0 : i32
        %dma_wait3A_571 = arith.constant 0 : i32
        %dma_wait3A_572 = tpu.memref_slice %arg4[%dma_wait3A_570, %mul3A_2, %dma_wait3A_571] : memref<50x4096x128xf32, #tpu.memory_space<hbm>> -> memref<1x64x128xf32, #tpu.memory_space<hbm>>
        %dma_wait3A_573 = tpu.memref_squeeze %dma_wait3A_572 : memref<1x64x128xf32, #tpu.memory_space<hbm>> -> memref<64x128xf32, #tpu.memory_space<hbm>>
        %dma_wait3A_574 = arith.constant 0 : i32
        %dma_wait3A_575 = tpu.memref_slice %arg4[%dma_wait3A_570, %mul3A_2, %dma_wait3A_574] : memref<50x4096x128xf32, #tpu.memory_space<hbm>> -> memref<1x64x128xf32, #tpu.memory_space<hbm>>
        %dma_wait3A_576 = tpu.memref_squeeze %dma_wait3A_575 : memref<1x64x128xf32, #tpu.memory_space<hbm>> -> memref<64x128xf32, #tpu.memory_space<hbm>>
        tpu.wait_dma2 semaphore(%arg32 : memref<!tpu.dma_semaphore, #tpu.memory_space<semaphore_mem>>) src(%arg12 : memref<64x128xf32, #tpu.memory_space<vmem>>) dst(%dma_wait3A_576 : memref<64x128xf32, #tpu.memory_space<hbm>>)
        %add3A_577 = arith.constant 7 : i32
        %add3A_578 = arith.addi %add3A_542, %add3A_577 : i32
        %jit3A_579 = arith.constant 2 : i32
        %div3A_580 = arith.divsi %add3A_578, %jit3A_579 : i32
        %sign3A_581 = arith.constant 0 : i32
        %sign3A_582 = arith.cmpi sgt, %add3A_578, %sign3A_581 : i32
        %sign3A_583 = arith.extui %sign3A_582 : i1 to i32
        %sign3A_584 = arith.constant 0 : i32
        %sign3A_585 = arith.cmpi slt, %add3A_578, %sign3A_584 : i32
        %sign3A_586 = arith.extui %sign3A_585 : i1 to i32
        %sign3A_587 = arith.subi %sign3A_583, %sign3A_586 : i32
        %sign3A_588 = arith.constant 0 : i32
        %sign3A_589 = arith.cmpi sgt, %jit3A_579, %sign3A_588 : i32
        %sign3A_590 = arith.extui %sign3A_589 : i1 to i32
        %sign3A_591 = arith.constant 0 : i32
        %sign3A_592 = arith.cmpi slt, %jit3A_579, %sign3A_591 : i32
        %sign3A_593 = arith.extui %sign3A_592 : i1 to i32
        %sign3A_594 = arith.subi %sign3A_590, %sign3A_593 : i32
        %ne3A_595 = arith.cmpi ne, %sign3A_587, %sign3A_594 : i32
        %rem3A_596 = arith.remsi %add3A_578, %jit3A_579 : i32
        %ne3A_597 = arith.constant 0 : i32
        %ne3A_598 = arith.cmpi ne, %rem3A_596, %ne3A_597 : i32
        %and3A_599 = arith.andi %ne3A_595, %ne3A_598 : i1
        %sub3A_600 = arith.constant 1 : i32
        %sub3A_601 = arith.subi %div3A_580, %sub3A_600 : i32
        %select_n3A_602 = arith.select %and3A_599, %sub3A_601, %div3A_580 : i32
        %jit3A_603 = arith.constant 2 : i32
        %eq3A_604 = arith.constant 0 : i32
        %eq3A_605 = arith.cmpi eq, %jit3A_603, %eq3A_604 : i32
        %jit3A_606 = arith.constant 1 : i32
        %select_n3A_607 = arith.select %eq3A_605, %jit3A_606, %jit3A_603 : i32
        %rem3A_608 = arith.remsi %add3A_578, %select_n3A_607 : i32
        %ne3A_609 = arith.constant 0 : i32
        %ne3A_610 = arith.cmpi ne, %rem3A_608, %ne3A_609 : i32
        %lt3A_611 = arith.constant 0 : i32
        %lt3A_612 = arith.cmpi slt, %rem3A_608, %lt3A_611 : i32
        %lt3A_613 = arith.constant 0 : i32
        %lt3A_614 = arith.cmpi slt, %select_n3A_607, %lt3A_613 : i32
        %ne3A_615 = arith.xori %lt3A_612, %lt3A_614 : i1
        %and3A_616 = arith.andi %ne3A_615, %ne3A_610 : i1
        %add3A_617 = arith.addi %rem3A_608, %select_n3A_607 : i32
        %select_n3A_618 = arith.select %and3A_616, %add3A_617, %rem3A_608 : i32
        %mul3A_619 = arith.constant 64 : i32
        %mul3A_620 = arith.muli %select_n3A_618, %mul3A_619 : i32
        %dma_start3A_621 = tpu.memref_slice %arg5[%select_n3A_602, %mul3A_620] : memref<50x128xi32, #tpu.memory_space<vmem>> -> memref<1x64xi32, #tpu.memory_space<vmem>>
        %dma_start3A_622 = tpu.memref_squeeze %dma_start3A_621 : memref<1x64xi32, #tpu.memory_space<vmem>> -> memref<64xi32, #tpu.memory_space<vmem>>
        %dma_start3A_623 = arith.constant 0 : i32
        %dma_start3A_624 = arith.constant 0 : i32
        %dma_start3A_625 = tpu.memref_slice %arg3[%dma_start3A_623, %dma_start3A_624] : memref<100000x128xf32, #tpu.memory_space<hbm>> -> memref<100000x128xf32, #tpu.memory_space<hbm>>
        tpu.enqueue_indirect_dma source(%dma_start3A_625 : memref<100000x128xf32, #tpu.memory_space<hbm>>) target(%arg12 : memref<64x128xf32, #tpu.memory_space<vmem>>) offsets(%dma_start3A_622 : memref<64xi32, #tpu.memory_space<vmem>>) semaphore(%arg22 : memref<!tpu.dma_semaphore, #tpu.memory_space<semaphore_mem>>)
      } else {
      }
    }
    %scan3A_55 = arith.constant 10 : i32
    %dma_wait3A = arith.constant 0 : i32
    %dma_wait3A_56 = arith.constant 0 : i32
    %dma_wait3A_57 = tpu.memref_slice %arg4[%dma_wait3A, %mul3A_2, %dma_wait3A_56] : memref<50x4096x128xf32, #tpu.memory_space<hbm>> -> memref<1x64x128xf32, #tpu.memory_space<hbm>>
    %dma_wait3A_58 = tpu.memref_squeeze %dma_wait3A_57 : memref<1x64x128xf32, #tpu.memory_space<hbm>> -> memref<64x128xf32, #tpu.memory_space<hbm>>
    %dma_wait3A_59 = arith.constant 0 : i32
    %dma_wait3A_60 = tpu.memref_slice %arg4[%dma_wait3A, %mul3A_2, %dma_wait3A_59] : memref<50x4096x128xf32, #tpu.memory_space<hbm>> -> memref<1x64x128xf32, #tpu.memory_space<hbm>>
    %dma_wait3A_61 = tpu.memref_squeeze %dma_wait3A_60 : memref<1x64x128xf32, #tpu.memory_space<hbm>> -> memref<64x128xf32, #tpu.memory_space<hbm>>
    tpu.wait_dma2 semaphore(%arg26 : memref<!tpu.dma_semaphore, #tpu.memory_space<semaphore_mem>>) src(%arg6 : memref<64x128xf32, #tpu.memory_space<vmem>>) dst(%dma_wait3A_61 : memref<64x128xf32, #tpu.memory_space<hbm>>)
    %dma_wait3A_62 = arith.constant 0 : i32
    %dma_wait3A_63 = arith.constant 0 : i32
    %dma_wait3A_64 = tpu.memref_slice %arg4[%dma_wait3A_62, %mul3A_2, %dma_wait3A_63] : memref<50x4096x128xf32, #tpu.memory_space<hbm>> -> memref<1x64x128xf32, #tpu.memory_space<hbm>>
    %dma_wait3A_65 = tpu.memref_squeeze %dma_wait3A_64 : memref<1x64x128xf32, #tpu.memory_space<hbm>> -> memref<64x128xf32, #tpu.memory_space<hbm>>
    %dma_wait3A_66 = arith.constant 0 : i32
    %dma_wait3A_67 = tpu.memref_slice %arg4[%dma_wait3A_62, %mul3A_2, %dma_wait3A_66] : memref<50x4096x128xf32, #tpu.memory_space<hbm>> -> memref<1x64x128xf32, #tpu.memory_space<hbm>>
    %dma_wait3A_68 = tpu.memref_squeeze %dma_wait3A_67 : memref<1x64x128xf32, #tpu.memory_space<hbm>> -> memref<64x128xf32, #tpu.memory_space<hbm>>
    tpu.wait_dma2 semaphore(%arg27 : memref<!tpu.dma_semaphore, #tpu.memory_space<semaphore_mem>>) src(%arg7 : memref<64x128xf32, #tpu.memory_space<vmem>>) dst(%dma_wait3A_68 : memref<64x128xf32, #tpu.memory_space<hbm>>)
    %dma_wait3A_69 = arith.constant 0 : i32
    %dma_wait3A_70 = arith.constant 0 : i32
    %dma_wait3A_71 = tpu.memref_slice %arg4[%dma_wait3A_69, %mul3A_2, %dma_wait3A_70] : memref<50x4096x128xf32, #tpu.memory_space<hbm>> -> memref<1x64x128xf32, #tpu.memory_space<hbm>>
    %dma_wait3A_72 = tpu.memref_squeeze %dma_wait3A_71 : memref<1x64x128xf32, #tpu.memory_space<hbm>> -> memref<64x128xf32, #tpu.memory_space<hbm>>
    %dma_wait3A_73 = arith.constant 0 : i32
    %dma_wait3A_74 = tpu.memref_slice %arg4[%dma_wait3A_69, %mul3A_2, %dma_wait3A_73] : memref<50x4096x128xf32, #tpu.memory_space<hbm>> -> memref<1x64x128xf32, #tpu.memory_space<hbm>>
    %dma_wait3A_75 = tpu.memref_squeeze %dma_wait3A_74 : memref<1x64x128xf32, #tpu.memory_space<hbm>> -> memref<64x128xf32, #tpu.memory_space<hbm>>
    tpu.wait_dma2 semaphore(%arg28 : memref<!tpu.dma_semaphore, #tpu.memory_space<semaphore_mem>>) src(%arg8 : memref<64x128xf32, #tpu.memory_space<vmem>>) dst(%dma_wait3A_75 : memref<64x128xf32, #tpu.memory_space<hbm>>)
    %dma_wait3A_76 = arith.constant 0 : i32
    %dma_wait3A_77 = arith.constant 0 : i32
    %dma_wait3A_78 = tpu.memref_slice %arg4[%dma_wait3A_76, %mul3A_2, %dma_wait3A_77] : memref<50x4096x128xf32, #tpu.memory_space<hbm>> -> memref<1x64x128xf32, #tpu.memory_space<hbm>>
    %dma_wait3A_79 = tpu.memref_squeeze %dma_wait3A_78 : memref<1x64x128xf32, #tpu.memory_space<hbm>> -> memref<64x128xf32, #tpu.memory_space<hbm>>
    %dma_wait3A_80 = arith.constant 0 : i32
    %dma_wait3A_81 = tpu.memref_slice %arg4[%dma_wait3A_76, %mul3A_2, %dma_wait3A_80] : memref<50x4096x128xf32, #tpu.memory_space<hbm>> -> memref<1x64x128xf32, #tpu.memory_space<hbm>>
    %dma_wait3A_82 = tpu.memref_squeeze %dma_wait3A_81 : memref<1x64x128xf32, #tpu.memory_space<hbm>> -> memref<64x128xf32, #tpu.memory_space<hbm>>
    tpu.wait_dma2 semaphore(%arg29 : memref<!tpu.dma_semaphore, #tpu.memory_space<semaphore_mem>>) src(%arg9 : memref<64x128xf32, #tpu.memory_space<vmem>>) dst(%dma_wait3A_82 : memref<64x128xf32, #tpu.memory_space<hbm>>)
    %dma_wait3A_83 = arith.constant 0 : i32
    %dma_wait3A_84 = arith.constant 0 : i32
    %dma_wait3A_85 = tpu.memref_slice %arg4[%dma_wait3A_83, %mul3A_2, %dma_wait3A_84] : memref<50x4096x128xf32, #tpu.memory_space<hbm>> -> memref<1x64x128xf32, #tpu.memory_space<hbm>>
    %dma_wait3A_86 = tpu.memref_squeeze %dma_wait3A_85 : memref<1x64x128xf32, #tpu.memory_space<hbm>> -> memref<64x128xf32, #tpu.memory_space<hbm>>
    %dma_wait3A_87 = arith.constant 0 : i32
    %dma_wait3A_88 = tpu.memref_slice %arg4[%dma_wait3A_83, %mul3A_2, %dma_wait3A_87] : memref<50x4096x128xf32, #tpu.memory_space<hbm>> -> memref<1x64x128xf32, #tpu.memory_space<hbm>>
    %dma_wait3A_89 = tpu.memref_squeeze %dma_wait3A_88 : memref<1x64x128xf32, #tpu.memory_space<hbm>> -> memref<64x128xf32, #tpu.memory_space<hbm>>
    tpu.wait_dma2 semaphore(%arg30 : memref<!tpu.dma_semaphore, #tpu.memory_space<semaphore_mem>>) src(%arg10 : memref<64x128xf32, #tpu.memory_space<vmem>>) dst(%dma_wait3A_89 : memref<64x128xf32, #tpu.memory_space<hbm>>)
    %dma_wait3A_90 = arith.constant 0 : i32
    %dma_wait3A_91 = arith.constant 0 : i32
    %dma_wait3A_92 = tpu.memref_slice %arg4[%dma_wait3A_90, %mul3A_2, %dma_wait3A_91] : memref<50x4096x128xf32, #tpu.memory_space<hbm>> -> memref<1x64x128xf32, #tpu.memory_space<hbm>>
    %dma_wait3A_93 = tpu.memref_squeeze %dma_wait3A_92 : memref<1x64x128xf32, #tpu.memory_space<hbm>> -> memref<64x128xf32, #tpu.memory_space<hbm>>
    %dma_wait3A_94 = arith.constant 0 : i32
    %dma_wait3A_95 = tpu.memref_slice %arg4[%dma_wait3A_90, %mul3A_2, %dma_wait3A_94] : memref<50x4096x128xf32, #tpu.memory_space<hbm>> -> memref<1x64x128xf32, #tpu.memory_space<hbm>>
    %dma_wait3A_96 = tpu.memref_squeeze %dma_wait3A_95 : memref<1x64x128xf32, #tpu.memory_space<hbm>> -> memref<64x128xf32, #tpu.memory_space<hbm>>
    tpu.wait_dma2 semaphore(%arg31 : memref<!tpu.dma_semaphore, #tpu.memory_space<semaphore_mem>>) src(%arg11 : memref<64x128xf32, #tpu.memory_space<vmem>>) dst(%dma_wait3A_96 : memref<64x128xf32, #tpu.memory_space<hbm>>)
    %dma_wait3A_97 = arith.constant 0 : i32
    %dma_wait3A_98 = arith.constant 0 : i32
    %dma_wait3A_99 = tpu.memref_slice %arg4[%dma_wait3A_97, %mul3A_2, %dma_wait3A_98] : memref<50x4096x128xf32, #tpu.memory_space<hbm>> -> memref<1x64x128xf32, #tpu.memory_space<hbm>>
    %dma_wait3A_100 = tpu.memref_squeeze %dma_wait3A_99 : memref<1x64x128xf32, #tpu.memory_space<hbm>> -> memref<64x128xf32, #tpu.memory_space<hbm>>
    %dma_wait3A_101 = arith.constant 0 : i32
    %dma_wait3A_102 = tpu.memref_slice %arg4[%dma_wait3A_97, %mul3A_2, %dma_wait3A_101] : memref<50x4096x128xf32, #tpu.memory_space<hbm>> -> memref<1x64x128xf32, #tpu.memory_space<hbm>>
    %dma_wait3A_103 = tpu.memref_squeeze %dma_wait3A_102 : memref<1x64x128xf32, #tpu.memory_space<hbm>> -> memref<64x128xf32, #tpu.memory_space<hbm>>
    tpu.wait_dma2 semaphore(%arg32 : memref<!tpu.dma_semaphore, #tpu.memory_space<semaphore_mem>>) src(%arg12 : memref<64x128xf32, #tpu.memory_space<vmem>>) dst(%dma_wait3A_103 : memref<64x128xf32, #tpu.memory_space<hbm>>)
    %dma_wait3A_104 = arith.constant 0 : i32
    %dma_wait3A_105 = arith.constant 0 : i32
    %dma_wait3A_106 = tpu.memref_slice %arg4[%dma_wait3A_104, %mul3A_2, %dma_wait3A_105] : memref<50x4096x128xf32, #tpu.memory_space<hbm>> -> memref<1x64x128xf32, #tpu.memory_space<hbm>>
    %dma_wait3A_107 = tpu.memref_squeeze %dma_wait3A_106 : memref<1x64x128xf32, #tpu.memory_space<hbm>> -> memref<64x128xf32, #tpu.memory_space<hbm>>
    %dma_wait3A_108 = arith.constant 0 : i32
    %dma_wait3A_109 = tpu.memref_slice %arg4[%dma_wait3A_104, %mul3A_2, %dma_wait3A_108] : memref<50x4096x128xf32, #tpu.memory_space<hbm>> -> memref<1x64x128xf32, #tpu.memory_space<hbm>>
    %dma_wait3A_110 = tpu.memref_squeeze %dma_wait3A_109 : memref<1x64x128xf32, #tpu.memory_space<hbm>> -> memref<64x128xf32, #tpu.memory_space<hbm>>
    tpu.wait_dma2 semaphore(%arg33 : memref<!tpu.dma_semaphore, #tpu.memory_space<semaphore_mem>>) src(%arg13 : memref<64x128xf32, #tpu.memory_space<vmem>>) dst(%dma_wait3A_110 : memref<64x128xf32, #tpu.memory_space<hbm>>)
    %dma_wait3A_111 = arith.constant 0 : i32
    %dma_wait3A_112 = arith.constant 0 : i32
    %dma_wait3A_113 = tpu.memref_slice %arg4[%dma_wait3A_111, %mul3A_2, %dma_wait3A_112] : memref<50x4096x128xf32, #tpu.memory_space<hbm>> -> memref<1x64x128xf32, #tpu.memory_space<hbm>>
    %dma_wait3A_114 = tpu.memref_squeeze %dma_wait3A_113 : memref<1x64x128xf32, #tpu.memory_space<hbm>> -> memref<64x128xf32, #tpu.memory_space<hbm>>
    %dma_wait3A_115 = arith.constant 0 : i32
    %dma_wait3A_116 = tpu.memref_slice %arg4[%dma_wait3A_111, %mul3A_2, %dma_wait3A_115] : memref<50x4096x128xf32, #tpu.memory_space<hbm>> -> memref<1x64x128xf32, #tpu.memory_space<hbm>>
    %dma_wait3A_117 = tpu.memref_squeeze %dma_wait3A_116 : memref<1x64x128xf32, #tpu.memory_space<hbm>> -> memref<64x128xf32, #tpu.memory_space<hbm>>
    tpu.wait_dma2 semaphore(%arg34 : memref<!tpu.dma_semaphore, #tpu.memory_space<semaphore_mem>>) src(%arg14 : memref<64x128xf32, #tpu.memory_space<vmem>>) dst(%dma_wait3A_117 : memref<64x128xf32, #tpu.memory_space<hbm>>)
    %dma_wait3A_118 = arith.constant 0 : i32
    %dma_wait3A_119 = arith.constant 0 : i32
    %dma_wait3A_120 = tpu.memref_slice %arg4[%dma_wait3A_118, %mul3A_2, %dma_wait3A_119] : memref<50x4096x128xf32, #tpu.memory_space<hbm>> -> memref<1x64x128xf32, #tpu.memory_space<hbm>>
    %dma_wait3A_121 = tpu.memref_squeeze %dma_wait3A_120 : memref<1x64x128xf32, #tpu.memory_space<hbm>> -> memref<64x128xf32, #tpu.memory_space<hbm>>
    %dma_wait3A_122 = arith.constant 0 : i32
    %dma_wait3A_123 = tpu.memref_slice %arg4[%dma_wait3A_118, %mul3A_2, %dma_wait3A_122] : memref<50x4096x128xf32, #tpu.memory_space<hbm>> -> memref<1x64x128xf32, #tpu.memory_space<hbm>>
    %dma_wait3A_124 = tpu.memref_squeeze %dma_wait3A_123 : memref<1x64x128xf32, #tpu.memory_space<hbm>> -> memref<64x128xf32, #tpu.memory_space<hbm>>
    tpu.wait_dma2 semaphore(%arg35 : memref<!tpu.dma_semaphore, #tpu.memory_space<semaphore_mem>>) src(%arg15 : memref<64x128xf32, #tpu.memory_space<vmem>>) dst(%dma_wait3A_124 : memref<64x128xf32, #tpu.memory_space<hbm>>)
    return
  }
}

</mosaic_0001>

<sc_bundles>
// kernel: kernel.3.cloned.1.call-start
scs
__scs_entry_jumppad:
0x0: {  	(pc) =	sbr.rel $0x88, $3  }
0x1: {  	(tag) =	ssettag $0x0;
	lr =	simm.s32 $0x1  }
0x2: {  	[smem:$0x3F9F] =	sst lr;
	_ =	strace $0xD0000000  }
0x3: {  	_ = 	snop  }
0x4: {  	_ = 	snop  }
0x5: {  	_ = 	snop  }
0x6: {  	_ = 	snop  }
0x7: {  	_ = 	snop  }
__scs_overlays_trampoline_lowered:
0x8: {  	[smem:$0x3FAE] =	sst s0  }
0x9: {  	[smem:$0x3FAF] =	sst s1  }
0xa: {  	[smem:$0x3FB0] =	sst s2  }
0xb: {  	[smem:$0x3FB1] =	sst s3  }
0xc: {  	[smem:$0x3FB2] =	sst s4  }
0xd: {  	[smem:$0x3FB3] =	sst s5  }
0xe: {  	[smem:$0x3FB4] =	sst s6  }
0xf: {  	[smem:$0x3FB5] =	sst s7  }
0x10: {  	[smem:$0x3FB6] =	sst s8  }
0x11: {  	[smem:$0x3FB7] =	sst s9;
	s0 =	simm.s32 @!p0 $0x0  }
0x12: {  	s1 =	sld [smem:$0x3F9D];
	s0 =	simm.s32 @p0 $0x1  }
0x13: {  	[smem:$0x3FB8] =	sst s0;
	s0 =	simm.s32 @!p1 $0x0  }
0x14: {  	s2 =	sld [smem:$0x3F9C];
	s0 =	simm.s32 @p1 $0x1  }
0x15: {  	[smem:$0x3FB9] =	sst s0;
	s0 =	simm.s32 @!p2 $0x0  }
0x16: {  	s3 =	sld [smem:$0x3FDB];
	s0 =	simm.s32 @p2 $0x1  }
0x17: {  	s4 =	simm.s32 $0x1BF5;
	[smem:$0x3FBB] =	sst s0  }
0x18: {  	s0 =	sld [smem:$0x3F9E];
	_ =	swait.ge [sflag:s4], $0x0  }
0x19: {  	s7 =	sld [smem:$0x3F9F]  }
0x1a: {  	s8 =	sadd.s32 $0xFFFFE003, lr  }
0x1b: {  	s9 =	sadd.s32 $0xFFFFFEF7, lr;
	s5 =	simm.s32 $0xFFFFFFFF;
	p2 =	slt.u32 s8, $0xFFFFF086  }
0x1c: {  	p1 =	slt.u32 s9, $0xF7A;
	s5 =	simm.s32 @!p2 $0x0  }
0x1d: {  	s5 =	simm.s32 @p1 $0x1;
	p0 =	seq.s32 s7, s2  }
0x1e: {  	s7 =	smul.u32 @!p0 $0xF7A, s2;
	p2 =	seq.s32 @!p0 s5, $0x0  }
0x1f: {  	s9 =	smul.u32 $0xF7A, s1;
	s8 =	simm.s32 @!p0 $0x1BF5;
	p2 =	por !p2, p0  }
0x20: {  	[sflag:s8] =	ssyncset.s32 @!p0 $0xFFFFF086;
	s6 =	sadd.s32 @!p0 s3, s7;
	s7 =	simm.s32 @!p0 $0x108  }
0x21: {  	s3 =	sadd.s32 s3, s9;
	s6 =	sadd.s32 @!p0 $0x88, s6;
	s7 =	simm.s32 @p2 $0x1082  }
0x22: {  	[simem:s7], [sflag:s8] =	dma.local @!p0 [hbm:s6], $0xF7A  }
0x23: {  	s9 =	sor.u32 $0xD0000000, s2;
	s6 =	simm.s32 $0x108;
	_ =	swait.ge @!p0 [sflag:s8], $0x0  }
0x24: {  	s3 =	sadd.s32 $0x88, s3;
	s6 =	simm.s32 @!p1 $0x1082;
	[sflag:s4] =	ssyncset.s32 $0xFFFFF086  }
0x25: {  	[simem:s6], [sflag:s4] =	dma.local [hbm:s3], $0xF7A  }
0x26: {  	[smem:$0x3F9F] =	sst s1;
	(tag) =	ssettag s2;
	_ =	strace s9  }
0x27: {  	s1 =	sld [smem:$0x3FAF]  }
0x28: {  	s2 =	sld [smem:$0x3FB0]  }
0x29: {  	s4 =	sld [smem:$0x3FB2]  }
0x2a: {  	p0 =	seq.s32 s5, $0x0;
	s5 =	sld [smem:$0x3FB3]  }
0x2b: {  	s6 =	sld [smem:$0x3FB4]  }
0x2c: {  	s7 =	sld [smem:$0x3FB5]  }
0x2d: {  	s3 =	simm.s32 $0x108;
	s8 =	sld [smem:$0x3FB6]  }
0x2e: {  	s3 =	simm.s32 @!p0 $0x1082;
	s9 =	sld [smem:$0x3FB7]  }
0x2f: {  	lr =	sadd.s32 s0, s3;
	s0 =	sld [smem:$0x3FAE]  }
0x30: {  	s3 =	sld [smem:$0x3FB1]  }
0x31: {  	[smem:$0x3FBA] =	sst s10  }
0x32: {  	s10 =	sld [smem:$0x3FB8];
	_ =	sdelay $0x3  }
0x33: {  	p0 =	seq.s32 s10, $0x1;
	s10 =	sld [smem:$0x3FBA];
	_ =	sdelay $0x3  }
0x34: {  	[smem:$0x3FBA] =	sst s10  }
0x35: {  	s10 =	sld [smem:$0x3FB9];
	_ =	sdelay $0x3  }
0x36: {  	p1 =	seq.s32 s10, $0x1;
	s10 =	sld [smem:$0x3FBA];
	_ =	sdelay $0x3  }
0x37: {  	[smem:$0x3FBA] =	sst s10  }
0x38: {  	s10 =	sld [smem:$0x3FBB]  }
0x39: {  	_ = 	snop;
	(pc) =	sbr.ind lr, $3  }
0x3a: {  	_ = 	snop  }
0x3b: {  	_ = 	snop  }
0x3c: {  	p2 =	seq.s32 s10, $0x1;
	s10 =	sld [smem:$0x3FBA]  }
0x3d: {  	_ =	shalt  }
0x3e: {  	_ =	shalt  }
0x3f: {  	_ =	shalt  }
0x40: {  	_ =	shalt  }
0x41: {  	_ =	shalt  }
0x42: {  	_ =	shalt  }
0x43: {  	_ =	shalt  }
0x44: {  	_ =	shalt  }
0x45: {  	_ =	shalt  }
0x46: {  	_ =	shalt  }
0x47: {  	_ =	shalt  }
0x48: {  	_ =	shalt  }
0x49: {  	_ =	shalt  }
0x4a: {  	_ =	shalt  }
0x4b: {  	_ =	shalt  }
0x4c: {  	_ =	shalt  }
0x4d: {  	_ =	shalt  }
0x4e: {  	_ =	shalt  }
0x4f: {  	_ =	shalt  }
0x50: {  	_ =	shalt  }
0x51: {  	_ =	shalt  }
0x52: {  	_ =	shalt  }
0x53: {  	_ =	shalt  }
0x54: {  	_ =	shalt  }
0x55: {  	_ =	shalt  }
0x56: {  	_ =	shalt  }
0x57: {  	_ =	shalt  }
0x58: {  	_ =	shalt  }
0x59: {  	_ =	shalt  }
0x5a: {  	_ =	shalt  }
0x5b: {  	_ =	shalt  }
0x5c: {  	_ =	shalt  }
0x5d: {  	_ =	shalt  }
0x5e: {  	_ =	shalt  }
0x5f: {  	_ =	shalt  }
0x60: {  	_ =	shalt  }
0x61: {  	_ =	shalt  }
0x62: {  	_ =	shalt  }
0x63: {  	_ =	shalt  }
0x64: {  	_ =	shalt  }
0x65: {  	_ =	shalt  }
0x66: {  	_ =	shalt  }
0x67: {  	_ =	shalt  }
0x68: {  	_ =	shalt  }
0x69: {  	_ =	shalt  }
0x6a: {  	_ =	shalt  }
0x6b: {  	_ =	shalt  }
0x6c: {  	_ =	shalt  }
0x6d: {  	_ =	shalt  }
0x6e: {  	_ =	shalt  }
0x6f: {  	_ =	shalt  }
0x70: {  	_ =	shalt  }
0x71: {  	_ =	shalt  }
0x72: {  	_ =	shalt  }
0x73: {  	_ =	shalt  }
0x74: {  	_ =	shalt  }
0x75: {  	_ =	shalt  }
0x76: {  	_ =	shalt  }
0x77: {  	_ =	shalt  }
0x78: {  	_ =	shalt  }
0x79: {  	_ =	shalt  }
0x7a: {  	_ =	shalt  }
0x7b: {  	_ =	shalt  }
0x7c: {  	_ =	shalt  }
0x7d: {  	_ =	shalt  }
0x7e: {  	_ =	shalt  }
0x7f: {  	_ =	shalt  }
0x80: {  	_ =	shalt  }
0x81: {  	_ =	shalt  }
0x82: {  	_ =	shalt  }
0x83: {  	_ =	shalt  }
0x84: {  	_ =	shalt  }
0x85: {  	_ =	shalt  }
0x86: {  	_ =	shalt  }
0x87: {  	_ =	shalt  }
.Lfunc_end0:
.L_simem_size_0:
called_computation_lowered:
.L_overlay_start_0:
0x88: {  	s2 =	sld [smem:$0x3FD9]  }
0x89: {  	s3 =	sld [smem:$0x3FFE];
	_ =	sdelay $0x1  }
0x8a: {  	s1 =	srdreg.scid  }
0x8b: {  	s0 =	sand.u32 $0x1, s1  }
0x8c: {  	s18 =	sshll.u32 s0, $0xA;
	s2 =	sadd.s32 s3, s2  }
0x8d: {  	s2 =	sadd.s32 s2, s18  }
0x8e: {  	[smem:$0x3FC6] =	sst s2  }
0x8f: {  	_ = 	snop  }
0x90: {  	s2 =	sld [smem:$0x3FC9]  }
0x91: {  	s19 =	sld [smem:$0x3FC8]  }
0x92: {  	s4 =	sld [smem:$0x3FD0];
	(tm) =	ssettm $0x1  }
0x93: {  	s5 =	sld [smem:$0x3FFB];
	_ =	sdelay $0x3  }
0x94: {  	_ =	strace s5  }
0x95: {  	s5 =	sld [smem:$0x3FFC];
	_ =	sdelay $0x3  }
0x96: {  	_ =	strace s5  }
0x97: {  	s5 =	sld [smem:$0x3FFD];
	_ =	sdelay $0x3  }
0x98: {  	_ =	strace s5  }
0x99: {  	_ =	strace $0x8FFFFFFF  }
0x9a: {  	s20 =	sld [smem:$0x3FDB];
	_ =	sdelay $0x1  }
0x9b: {  	s6 =	simm.s32 $_scs_section_size  }
0x9c: {  	s7 =	simm.s32 $_size__tile_overlayer_lowered;
	s8 =	simm.s32 $_tile_overlayer_lowered  }
0x9d: {  	s23 =	simm.s32 $0x1BFF;
	s22 =	sshll.u32 s8, $0x1;
	s5 =	sadd.s32 s6, s20  }
0x9e: {  	s9 =	simm.s32 $0x0;
	s21 =	sshll.u32 s7, $0x1;
	s7 =	sadd.s32 s22, s5  }
0x9f: {  	[timem:s9], [sflag:s23] =	dma.local [hbm:s7], s21  }
0xa0: {  	_ =	swait.ge [sflag:s23], s21  }
0xa1: {  	s6 =	ssub.s32 $0x0, s21;
	[sflag:s23] =	ssyncset.done $0x0  }
0xa2: {  	[sflag:s23] =	ssyncadd.s32 s6;
	_ =	sdelay $0x1  }
0xa3: {  	s24 =	simm.s32 $0x1B8B  }
0xa4: {  	_ =	swait.ge [sflag:s24], $0x1  }
0xa5: {  	[sflag:s24] =	ssyncset.done $0x0  }
0xa6: {  	s25 =	simm.s32 $0x1B8E;
	[sflag:s24] =	ssyncadd.s32 $0xFFFFFFFF  }
0xa7: {  	s26 =	simm.s32 $execute0_lowered;
	[smem:$0x3FD2] =	sst s25  }
0xa8: {  	s6 =	sshll.u32 s26, $0x1;
	_ =	strace $0x80000046;
	[dreg:$0x1] =	wrdreg $0xFFFFFFFF  }
0xa9: {  	s28 =	simm.s32 $_size_execute0_lowered;
	s5 =	sadd.s32 s5, s6;
	[dreg:$0x0] =	wrdreg $0x0  }
0xaa: {  	s6 =	sshll.u32 s28, $0x1;
	[dreg:$0x2] =	wrdreg s5  }
0xab: {  	[dreg:$0x3] =	wrdreg s6  }
0xac: {  	[dreg:$0x4] =	wrdreg $0xC0  }
0xad: {  	_ =	task [dreg:s9], $0x5FFFF  }
0xae: {  	[dreg:$0x1] =	wrdreg $0xFFFFFFFF  }
0xaf: {  	[dreg:$0x0] =	wrdreg $0x60  }
0xb0: {  	[dreg:$0x2] =	wrdreg s2  }
0xb1: {  	[dreg:$0x3] =	wrdreg s19  }
0xb2: {  	[dreg:$0x4] =	wrdreg s4  }
0xb3: {  	[dreg:$0x5] =	wrdreg $0x9  }
0xb4: {  	_ =	task.clear_ibuf [dreg:s9], $0x6FFFF;
	_ =	strace $0x90000046  }
0xb5: {  	s29 =	simm.s32 $0x9;
	_ =	strace $0x80000048  }
0xb6: {  	_ =	swait.ge [sflag:s29], $0x1  }
0xb7: {  	[sflag:s29] =	ssyncadd.s32 $0xFFFFFFFF  }
0xb8: {  	_ =	strace $0x90000048  }
0xb9: {  	_ =	sfence  }
0xba: {  	s30 =	sld [smem:$0x0];
	_ =	sdelay $0x2  }
0xbb: {  	s31 =	sshll.u32 s1, $0xD;
	s1 =	sshrl.u32 s1, $0x2  }
0xbc: {  	s3 =	sand.u32 $0x4000, s31;
	s1 =	sadd.s32 s1, s30  }
0xbd: {  	s0 =	sor.u32 s3, s0;
	s1 =	sshll.u32 s1, $0x11  }
0xbe: {  	s0 =	sor.u32 s1, s0  }
0xbf: {  	s0 =	sadd.s32 $0x8F2B, s0  }
0xc0: {  	[sflag:s0] =	ssyncadd.remote.s32 $0x1  }
0xc1: {  	_ =	sfence.sel $0xFFFF  }
0xc2: {  	[dreg:$0x0] =	wrdreg $0xFFFFFFFF;
	(pc) =	sbr.abs _section_cstart, $3  }
0xc3: {  	[dreg:$0x1] =	wrdreg $0xFFFFFFFF  }
0xc4: {  	_ =	task.clear_ibuf [dreg:s9], $0x2FFFF;
	_ =	strace $0x9FFFFFFF  }
0xc5: {  	(tm) =	ssettm $0x7FFFFFFF  }
tec
execute0_lowered:
.L_overlay_start_1:
0x0: {  	(tag) =	ssettag $0x1  }
0x1: {  	s0 =	rddreg [dreg:$0x0]  }
0x2: {  	s1 =	rddreg [dreg:$0x1]  }
0x3: {  	s3 =	rddreg [dreg:$0x2];
	s2 =	simm.s32 $0x0;
	s4 =	srdreg.scid  }
0x4: {  	s9 =	stileid.u32;
	s28 =	simm.s32 $0x3;
	s30 =	simm.s32 $0x13C00  }
0x5: {  	[smem:$0x7FF] =	sst s2;
	s4 =	sand.u32 $0x1, s4;
	s7 =	sshll.u32 s9, $0x8  }
0x6: {  	s31 =	sshll.u32 s9, $0xF;
	_ =	strace $0x80000047;
	s5 =	ssub.s32 $0x2, s4  }
0x7: {  	s8 =	sshll.u32 s4, $0x7;
	s4 =	sshll.u32 s4, $0xE;
	s6 =	sshrl.u32 s5, $0x1  }
0x8: {  	s7 =	sor.u32 s8, s7;
	s8 =	sor.u32 s4, s31;
	s5 =	ssub.s32 s5, s6  }
0x9: {  	s7 =	sadd.s32 s0, s7;
	s14 =	sor.u32 $0x202000, s8;
	s15 =	sor.u32 $0x200000, s8  }
0xa: {  	s16 =	sor.u32 $0x182000, s8;
	s19 =	sor.u32 $0x180000, s8;
	s20 =	sor.u32 $0x102000, s8  }
0xb: {  	s21 =	sor.u32 $0x100000, s8;
	s24 =	sor.u32 $0x82000, s8;
	s25 =	sor.u32 $0x80000, s8  }
0xc: {  	s26 =	sor.u32 $0x2000, s8;
	s0 =	sshrl.u32 s8, $0x3;
	s6 =	simm.s32 $0x7  }
0xd: {  	[dreg:$0x4] =	wrdreg s7;
	s12 =	sadd.s32 $0x6000, s7;
	s13 =	smax.u32 s5, $0x1  }
0xe: {  	s4 =	sshrl.u32 s14, $0x3;
	s17 =	sshrl.u32 s15, $0x3;
	s18 =	sshrl.u32 s16, $0x3  }
0xf: {  	s22 =	sshrl.u32 s20, $0x3;
	s23 =	sshrl.u32 s21, $0x3;
	s29 =	sshrl.u32 s25, $0x3  }
0x10: {  	s31 =	sshrl.u32 s26, $0x3;
	s16 =	sadd.s32 s0, s3;
	s20 =	simm.s32 $0x40  }
0x11: {  	s25 =	simm.s32 $0x11C00;
	s0 =	simm.s32 $0x4;
	[dreg:$0x5] =	wrdreg s12  }
0x12: {  	s5 =	simm.s32 $0x5;
	s21 =	simm.s32 $0x10;
	[dreg:$0x6] =	wrdreg s13  }
0x13: {  	s4 =	sadd.s32 s4, s3;
	s9 =	sadd.s32 s18, s3;
	s11 =	sadd.s32 s22, s3  }
0x14: {  	s12 =	sadd.s32 s23, s3;
	s14 =	sadd.s32 s29, s3;
	s15 =	sadd.s32 s31, s3  }
.Ltmp0:
0x15: {  	s23 =	simm.s32 $0x2;
	s22 =	simm.s32 $0x11;
	(pc) =	sbr.rel .LBB2_1-.Ltmp0, $4  }
0x16: {  	s18 =	simm.s32 $0x0;
	[dreg:$0x7] =	wrdreg s4;
	s4 =	sadd.s32 s17, s3  }
0x17: {  	s17 =	simm.s32 $0x1;
	[dreg:$0x8] =	wrdreg s4;
	s4 =	sshrl.u32 s19, $0x3  }
0x18: {  	s19 =	simm.s32 $0xA;
	s10 =	sadd.s32 s4, s3;
	s4 =	sshrl.u32 s24, $0x3  }
0x19: {  	s13 =	sadd.s32 s4, s3;
	s3 =	simm.s32 $0xDC00;
	s4 =	simm.s32 $0x9  }
.LBB2_4:
0x1a: {  	_ =	swait.ge [sflag:s19], $0x2000  }
0x1b: {  	[sflag:s19] =	ssyncset.done $0x0  }
0x1c: {  	s7 =	simm.s32 $0xB;
	[sflag:s19] =	ssyncadd.s32 $0xFFFFE000  }
0x1d: {  	[hbm4b:s26+s2] =	stream.linear.scatter [tilespmem:s30], [sflag:$0x14], $0x2000, $0x38;
	[tilespmem:$0x15C00] =	vst v63  }
0x1e: {  	_ =	swait.ge [sflag:s7], $0x2000  }
0x1f: {  	[sflag:s7] =	ssyncset.done $0x0  }
0x20: {  	s31 =	simm.s32 $0xC;
	[sflag:s7] =	ssyncadd.s32 $0xFFFFE000  }
0x21: {  	_ =	swait.ge [sflag:s31], $0x2000  }
0x22: {  	[sflag:s31] =	ssyncset.done $0x0  }
0x23: {  	s8 =	simm.s32 $0xD;
	[sflag:s31] =	ssyncadd.s32 $0xFFFFE000  }
0x24: {  	_ =	swait.ge [sflag:s8], $0x2000  }
0x25: {  	[sflag:s8] =	ssyncset.done $0x0  }
0x26: {  	s18 =	simm.s32 $0xE;
	[sflag:s8] =	ssyncadd.s32 $0xFFFFE000  }
0x27: {  	_ =	swait.ge [sflag:s18], $0x2000  }
0x28: {  	[sflag:s18] =	ssyncset.done $0x0  }
0x29: {  	s24 =	simm.s32 $0xF;
	[sflag:s18] =	ssyncadd.s32 $0xFFFFE000  }
0x2a: {  	_ =	swait.ge [sflag:s24], $0x2000  }
0x2b: {  	[sflag:s24] =	ssyncset.done $0x0  }
0x2c: {  	[sflag:s24] =	ssyncadd.s32 $0xFFFFE000  }
0x2d: {  	_ =	swait.ge [sflag:s21], $0x2000  }
0x2e: {  	[sflag:s21] =	ssyncset.done $0x0  }
0x2f: {  	[sflag:s21] =	ssyncadd.s32 $0xFFFFE000  }
0x30: {  	_ =	swait.ge [sflag:s22], $0x2000  }
0x31: {  	[sflag:s22] =	ssyncset.done $0x0  }
0x32: {  	s26 =	simm.s32 $0x12;
	[sflag:s22] =	ssyncadd.s32 $0xFFFFE000  }
0x33: {  	_ =	swait.ge [sflag:s26], $0x2000  }
0x34: {  	[sflag:s26] =	ssyncset.done $0x0  }
0x35: {  	s29 =	simm.s32 $0x13;
	[sflag:s26] =	ssyncadd.s32 $0xFFFFE000  }
0x36: {  	_ =	swait.ge [sflag:s29], $0x2000  }
0x37: {  	[sflag:s29] =	ssyncset.done $0x0  }
0x38: {  	s8 =	simm.s32 $0x14;
	[sflag:s29] =	ssyncadd.s32 $0xFFFFE000  }
0x39: {  	_ =	swait.ge [sflag:s8], $0x2000  }
0x3a: {  	s18 =	rddreg [dreg:$0x9]  }
0x3b: {  	s31 =	rddreg [dreg:$0x6];
	s18 =	sadd.s32 $0x1, s18  }
0x3c: {  	p0 =	sne.s32 s18, s31  }
.Ltmp1:
0x3d: {  	_ = 	snop;
	(pc) =	sbr.rel @!p0 .LBB2_5-.Ltmp1, $3  }
0x3e: {  	_ =	sdelay $0x1  }
0x3f: {  	[sflag:s8] =	ssyncset.done $0x0  }
0x40: {  	[sflag:s8] =	ssyncadd.s32 $0xFFFFE000  }
.LBB2_1:
0x41: {  	[dreg:$0x9] =	wrdreg s18  }
0x42: {  	s31 =	simm.s32 $0x400;
	s7 =	rddreg [dreg:$0x4];
	s8 =	simm.s32 $0x8000  }
0x43: {  	[tilespmem:s2], [sflag:$0x15] =	stream.strided.gather [hbm4b:s7+s31], $0x1800, s8, s31, $0x38;
	[tilespmem:$0x15C00] =	vst v63  }
0x44: {  	s18 =	rddreg [dreg:$0x5];
	s24 =	simm.s32 $0x1800;
	s26 =	simm.s32 $0x15  }
0x45: {  	[tilespmem:s24], [sflag:$0x15] =	stream.linear.gather [hbm4b:s18+s2], $0x100, $0x38;
	[tilespmem:$0x15C00] =	vst v63  }
0x46: {  	_ =	swait.ge [sflag:s26], $0x1900  }
0x47: {  	[sflag:s26] =	ssyncset.done $0x0  }
0x48: {  	s29 =	simm.s32 $0x1C00;
	[sflag:s26] =	ssyncadd.s32 $0xFFFFE700  }
0x49: {  	[tilespmem:s29], [sflag:$0x1] =	stream.indirect.gather [hbm4b:s1+s20], $0x80, s2, s20, $0xb8;
	[tilespmem:$0x15C00] =	vst v63  }
0x4a: {  	s8 =	simm.s32 $0x3C00  }
0x4b: {  	[tilespmem:s8], [sflag:$0x2] =	stream.indirect.gather [hbm4b:s1+s20], $0x80, s20, s20, $0xb8;
	[tilespmem:$0x15C00] =	vst v63  }
0x4c: {  	s18 =	simm.s32 $0x80;
	s24 =	simm.s32 $0x5C00  }
0x4d: {  	[tilespmem:s24], [sflag:$0x3] =	stream.indirect.gather [hbm4b:s1+s20], $0x80, s18, s20, $0xb8;
	[tilespmem:$0x15C00] =	vst v63  }
0x4e: {  	s26 =	simm.s32 $0xC0;
	s29 =	simm.s32 $0x7C00  }
0x4f: {  	[tilespmem:s29], [sflag:$0x4] =	stream.indirect.gather [hbm4b:s1+s20], $0x80, s26, s20, $0xb8;
	[tilespmem:$0x15C00] =	vst v63  }
0x50: {  	s8 =	simm.s32 $0x100;
	s18 =	simm.s32 $0x9C00  }
0x51: {  	[tilespmem:s18], [sflag:$0x5] =	stream.indirect.gather [hbm4b:s1+s20], $0x80, s8, s20, $0xb8;
	[tilespmem:$0x15C00] =	vst v63  }
0x52: {  	s24 =	simm.s32 $0x140;
	s26 =	simm.s32 $0xBC00  }
0x53: {  	[tilespmem:s26], [sflag:$0x6] =	stream.indirect.gather [hbm4b:s1+s20], $0x80, s24, s20, $0xb8;
	[tilespmem:$0x15C00] =	vst v63  }
0x54: {  	s29 =	simm.s32 $0x180;
	s24 =	simm.s32 $0x0  }
0x55: {  	[tilespmem:s3], [sflag:$0x7] =	stream.indirect.gather [hbm4b:s1+s20], $0x80, s29, s20, $0xb8;
	[tilespmem:$0x15C00] =	vst v63  }
.LBB2_2:
0x56: {  	_ =	swait.ge [sflag:s17], $0x2000  }
0x57: {  	s26 =	sadd.s32 s24, s16;
	[sflag:s17] =	ssyncset.done $0x0  }
0x58: {  	s7 =	simm.s32 $0x1C00;
	p0 =	seq.s32 s24, $0x0;
	[sflag:s17] =	ssyncadd.s32 $0xFFFFE000  }
0x59: {  	[hbm4b:s26+s2] =	stream.linear.scatter [tilespmem:s7], [sflag:$0xB], $0x2000, $0x38;
	[tilespmem:$0x15C00] =	vst v63  }
0x5a: {  	s26 =	simm.s32 @!p0 $0x12  }
0x5b: {  	_ =	swait.ge @!p0 [sflag:s26], $0x2000  }
0x5c: {  	[sflag:s26] =	ssyncset.done @!p0 $0x0  }
0x5d: {  	s8 =	simm.s32 $0xFC00;
	s7 =	sadd.s32 $0xFFFFFDC0, s31;
	[sflag:s26] =	ssyncadd.s32 @!p0 $0xFFFFE000  }
0x5e: {  	[tilespmem:s8], [sflag:$0x8] =	stream.indirect.gather [hbm4b:s1+s20], $0x80, s7, s20, $0xb8;
	[tilespmem:$0x15C00] =	vst v63  }
0x5f: {  	_ =	swait.ge [sflag:s23], $0x2000  }
0x60: {  	s18 =	sadd.s32 s24, s15;
	[sflag:s23] =	ssyncset.done $0x0  }
0x61: {  	s29 =	simm.s32 $0x3C00;
	s26 =	simm.s32 @!p0 $0x13;
	[sflag:s23] =	ssyncadd.s32 $0xFFFFE000  }
0x62: {  	[hbm4b:s18+s2] =	stream.linear.scatter [tilespmem:s29], [sflag:$0xC], $0x2000, $0x38;
	[tilespmem:$0x15C00] =	vst v63  }
0x63: {  	_ =	swait.ge @!p0 [sflag:s26], $0x2000  }
0x64: {  	[sflag:s26] =	ssyncset.done @!p0 $0x0  }
0x65: {  	s8 =	sadd.s32 $0xFFFFFE00, s31;
	[sflag:s26] =	ssyncadd.s32 @!p0 $0xFFFFE000  }
0x66: {  	[tilespmem:s25], [sflag:$0x9] =	stream.indirect.gather [hbm4b:s1+s20], $0x80, s8, s20, $0xb8;
	[tilespmem:$0x15C00] =	vst v63  }
0x67: {  	_ =	swait.ge [sflag:s28], $0x2000  }
0x68: {  	s18 =	sadd.s32 s24, s14;
	[sflag:s28] =	ssyncset.done $0x0  }
0x69: {  	s29 =	simm.s32 $0x5C00;
	s26 =	simm.s32 @!p0 $0x14;
	[sflag:s28] =	ssyncadd.s32 $0xFFFFE000  }
0x6a: {  	[hbm4b:s18+s2] =	stream.linear.scatter [tilespmem:s29], [sflag:$0xD], $0x2000, $0x38;
	[tilespmem:$0x15C00] =	vst v63  }
0x6b: {  	_ =	swait.ge @!p0 [sflag:s26], $0x2000  }
0x6c: {  	[sflag:s26] =	ssyncset.done @!p0 $0x0  }
0x6d: {  	s8 =	sadd.s32 $0xFFFFFE40, s31;
	[sflag:s26] =	ssyncadd.s32 @!p0 $0xFFFFE000  }
0x6e: {  	[tilespmem:s30], [sflag:$0xA] =	stream.indirect.gather [hbm4b:s1+s20], $0x80, s8, s20, $0xb8;
	[tilespmem:$0x15C00] =	vst v63  }
0x6f: {  	_ =	swait.ge [sflag:s0], $0x2000  }
0x70: {  	s18 =	sadd.s32 s24, s13;
	p0 =	seq.s32 s24, $0x2D0000;
	[sflag:s0] =	ssyncset.done $0x0  }
0x71: {  	s29 =	simm.s32 $0x7C00;
	s26 =	simm.s32 @!p0 $0xB;
	[sflag:s0] =	ssyncadd.s32 $0xFFFFE000  }
0x72: {  	[hbm4b:s18+s2] =	stream.linear.scatter [tilespmem:s29], [sflag:$0xE], $0x2000, $0x38;
	[tilespmem:$0x15C00] =	vst v63  }
0x73: {  	_ =	swait.ge @!p0 [sflag:s26], $0x2000  }
0x74: {  	s18 =	sadd.s32 @!p0 $0xFFFFFE80, s31;
	[sflag:s26] =	ssyncset.done @!p0 $0x0  }
0x75: {  	s29 =	simm.s32 @!p0 $0x1C00;
	[sflag:s26] =	ssyncadd.s32 @!p0 $0xFFFFE000;
	s26 =	simm.s32 @!p0 $0x40  }
0x76: {  	[tilespmem:s29], [sflag:$0x1] =	stream.indirect.gather @!p0 [hbm4b:s1+s26], $0x80, s18, s26, $0xb8;
	[tilespmem:$0x15C00] =	vst v63  }
0x77: {  	_ =	swait.ge [sflag:s5], $0x2000  }
0x78: {  	s8 =	sadd.s32 s24, s12;
	[sflag:s5] =	ssyncset.done $0x0  }
0x79: {  	s29 =	simm.s32 $0x9C00;
	s18 =	simm.s32 @p0 $0x6;
	[sflag:s5] =	ssyncadd.s32 $0xFFFFE000  }
0x7a: {  	[hbm4b:s8+s2] =	stream.linear.scatter [tilespmem:s29], [sflag:$0xF], $0x2000, $0x38;
	[tilespmem:$0x15C00] =	vst v63  }
0x7b: {  	_ =	swait.ge @p0 [sflag:s18], $0x2000  }
0x7c: {  	s7 =	simm.s32 @p0 $0xBC00;
	[sflag:s18] =	ssyncset.done @p0 $0x0  }
0x7d: {  	s29 =	simm.s32 @p0 $0x0;
	[sflag:s18] =	ssyncadd.s32 @p0 $0xFFFFE000;
	s18 =	sadd.s32 @p0 s24, s11  }
0x7e: {  	[hbm4b:s18+s29] =	stream.linear.scatter @p0 [tilespmem:s7], [sflag:$0x10], $0x2000, $0x38;
	[tilespmem:$0x15C00] =	vst v63  }
0x7f: {  	s7 =	simm.s32 @!p0 $0xC  }
0x80: {  	_ =	swait.ge @!p0 [sflag:s7], $0x2000  }
0x81: {  	[sflag:s7] =	ssyncset.done @!p0 $0x0  }
0x82: {  	s18 =	simm.s32 @!p0 $0x3C00;
	[sflag:s7] =	ssyncadd.s32 @!p0 $0xFFFFE000;
	s7 =	sadd.s32 @!p0 $0xFFFFFEC0, s31  }
0x83: {  	[tilespmem:s18], [sflag:$0x2] =	stream.indirect.gather @!p0 [hbm4b:s1+s26], $0x80, s7, s26, $0xb8;
	[tilespmem:$0x15C00] =	vst v63  }
0x84: {  	s7 =	simm.s32 @!p0 $0x6  }
0x85: {  	_ =	swait.ge @!p0 [sflag:s7], $0x2000  }
0x86: {  	s8 =	simm.s32 @!p0 $0xBC00;
	[sflag:s7] =	ssyncset.done @!p0 $0x0  }
0x87: {  	s18 =	simm.s32 @!p0 $0x0;
	[sflag:s7] =	ssyncadd.s32 @!p0 $0xFFFFE000;
	s7 =	sadd.s32 @!p0 s24, s11  }
0x88: {  	[hbm4b:s7+s18] =	stream.linear.scatter @!p0 [tilespmem:s8], [sflag:$0x10], $0x2000, $0x38;
	[tilespmem:$0x15C00] =	vst v63  }
0x89: {  	s7 =	simm.s32 @!p0 $0xD  }
0x8a: {  	_ =	swait.ge @!p0 [sflag:s7], $0x2000  }
0x8b: {  	[sflag:s7] =	ssyncset.done @!p0 $0x0  }
0x8c: {  	s8 =	simm.s32 @!p0 $0x5C00;
	[sflag:s7] =	ssyncadd.s32 @!p0 $0xFFFFE000;
	s7 =	sadd.s32 @!p0 $0xFFFFFF00, s31  }
0x8d: {  	[tilespmem:s8], [sflag:$0x3] =	stream.indirect.gather @!p0 [hbm4b:s1+s26], $0x80, s7, s26, $0xb8;
	[tilespmem:$0x15C00] =	vst v63  }
0x8e: {  	_ =	swait.ge [sflag:s6], $0x2000  }
0x8f: {  	[sflag:s6] =	ssyncset.done $0x0  }
0x90: {  	s8 =	sadd.s32 s24, s10;
	s7 =	simm.s32 @p0 $0x8;
	[sflag:s6] =	ssyncadd.s32 $0xFFFFE000  }
0x91: {  	[hbm4b:s8+s2] =	stream.linear.scatter [tilespmem:s3], [sflag:$0x11], $0x2000, $0x38;
	[tilespmem:$0x15C00] =	vst v63  }
0x92: {  	_ =	swait.ge @p0 [sflag:s7], $0x2000  }
0x93: {  	[sflag:s7] =	ssyncset.done @p0 $0x0  }
0x94: {  	s8 =	simm.s32 @p0 $0xFC00;
	[sflag:s7] =	ssyncadd.s32 @p0 $0xFFFFE000;
	s7 =	sadd.s32 @p0 s24, s9  }
0x95: {  	[hbm4b:s7+s29] =	stream.linear.scatter @p0 [tilespmem:s8], [sflag:$0x12], $0x2000, $0x38;
	[tilespmem:$0x15C00] =	vst v63  }
0x96: {  	s7 =	simm.s32 @!p0 $0xE  }
0x97: {  	_ =	swait.ge @!p0 [sflag:s7], $0x2000  }
0x98: {  	[sflag:s7] =	ssyncset.done @!p0 $0x0  }
0x99: {  	s8 =	simm.s32 @!p0 $0x7C00;
	[sflag:s7] =	ssyncadd.s32 @!p0 $0xFFFFE000;
	s7 =	sadd.s32 @!p0 $0xFFFFFF40, s31  }
0x9a: {  	[tilespmem:s8], [sflag:$0x4] =	stream.indirect.gather @!p0 [hbm4b:s1+s26], $0x80, s7, s26, $0xb8;
	[tilespmem:$0x15C00] =	vst v63  }
0x9b: {  	s7 =	simm.s32 @!p0 $0x8  }
0x9c: {  	_ =	swait.ge @!p0 [sflag:s7], $0x2000  }
0x9d: {  	[sflag:s7] =	ssyncset.done @!p0 $0x0  }
0x9e: {  	s8 =	simm.s32 @!p0 $0xFC00;
	[sflag:s7] =	ssyncadd.s32 @!p0 $0xFFFFE000;
	s7 =	sadd.s32 @!p0 s24, s9  }
0x9f: {  	[hbm4b:s7+s18] =	stream.linear.scatter @!p0 [tilespmem:s8], [sflag:$0x12], $0x2000, $0x38;
	[tilespmem:$0x15C00] =	vst v63  }
0xa0: {  	s7 =	simm.s32 @!p0 $0xF  }
0xa1: {  	_ =	swait.ge @!p0 [sflag:s7], $0x2000  }
0xa2: {  	[sflag:s7] =	ssyncset.done @!p0 $0x0  }
0xa3: {  	s8 =	simm.s32 @!p0 $0x9C00;
	[sflag:s7] =	ssyncadd.s32 @!p0 $0xFFFFE000;
	s7 =	sadd.s32 @!p0 $0xFFFFFF80, s31  }
0xa4: {  	[tilespmem:s8], [sflag:$0x5] =	stream.indirect.gather @!p0 [hbm4b:s1+s26], $0x80, s7, s26, $0xb8;
	[tilespmem:$0x15C00] =	vst v63  }
.Ltmp2:
0xa5: {  	_ =	swait.ge [sflag:s4], $0x2000;
	(pc) =	sbr.rel @p0 .LBB2_4-.Ltmp2, $4  }
0xa6: {  	s26 =	rddreg [dreg:$0x8]  }
0xa7: {  	[sflag:s4] =	ssyncset.done $0x0;
	s29 =	rddreg [dreg:$0x7]  }
0xa8: {  	[sflag:s4] =	ssyncadd.s32 $0xFFFFE000;
	s7 =	sadd.s32 s24, s26;
	s26 =	sadd.s32 s24, s29  }
0xa9: {  	[hbm4b:s7+s2] =	stream.linear.scatter [tilespmem:s25], [sflag:$0x13], $0x2000, $0x38;
	[tilespmem:$0x15C00] =	vst v63  }
0xaa: {  	_ =	swait.ge [sflag:s21], $0x2000  }
0xab: {  	[sflag:s21] =	ssyncset.done $0x0  }
0xac: {  	s7 =	sadd.s32 $0xFFFFFFC0, s31;
	s8 =	simm.s32 $0xBC00;
	[sflag:s21] =	ssyncadd.s32 $0xFFFFE000  }
0xad: {  	[tilespmem:s8], [sflag:$0x6] =	stream.indirect.gather [hbm4b:s1+s20], $0x80, s7, s20, $0xb8;
	[tilespmem:$0x15C00] =	vst v63  }
0xae: {  	_ =	swait.ge [sflag:s19], $0x2000  }
0xaf: {  	[sflag:s19] =	ssyncset.done $0x0  }
0xb0: {  	[sflag:s19] =	ssyncadd.s32 $0xFFFFE000  }
0xb1: {  	[hbm4b:s26+s2] =	stream.linear.scatter [tilespmem:s30], [sflag:$0x14], $0x2000, $0x38;
	[tilespmem:$0x15C00] =	vst v63  }
.Ltmp3:
0xb2: {  	_ =	swait.ge [sflag:s22], $0x2000;
	(pc) =	sbr.rel .LBB2_2-.Ltmp3, $4  }
0xb3: {  	[sflag:s22] =	ssyncset.done $0x0  }
0xb4: {  	[sflag:s22] =	ssyncadd.s32 $0xFFFFE000  }
0xb5: {  	[tilespmem:s3], [sflag:$0x7] =	stream.indirect.gather [hbm4b:s1+s20], $0x80, s31, s20, $0xb8;
	[tilespmem:$0x15C00] =	vst v63  }
0xb6: {  	s24 =	sadd.s32 $0x50000, s24;
	s31 =	sadd.s32 $0x280, s31  }
.LBB2_5:
0xb7: {  	_ =	sfence.sel $0x180000  }
0xb8: {  	[bflag:$0x0] =	sbarrier.arrive $0xFFFF  }
0xb9: {  	_ =	strace $0x90000047  }
0xba: {  	s0 =	stileid.u32;
	[bflag:$0x2] =	sbarrier.arrive $0xFFFF  }
0xbb: {  	p0 =	sne.s32 s0, $0x0;
	s0 =	rddreg [dreg:$0x3]  }
0xbc: {  	s0 =	sadd.s32 @!p0 $0x100000, s0  }
0xbd: {  	[sflag:s0] =	ssyncadd.tile.s32 @!p0 $0x1;
	_ =	shalt  }
.Lfunc_end2:
_tile_overlayer_lowered:
.L_overlay_start_2:
0xbe: {  	(tag) =	ssettag $0x2  }
0xbf: {  	s0 =	rddreg [dreg:$0x0];
	s2 =	stileid.u32  }
0xc0: {  	s1 =	rddreg [dreg:$0x1];
	p0 =	sne.s32 s2, $0x0  }
0xc1: {  	s3 =	rddreg [dreg:$0x2];
	[bflag:$0x3] =	sbarrier.arrive $0xFFFF;
	s2 =	simm.s32 @!p0 $0x1C15  }
0xc2: {  	[timem:s3], [sflag:s2] =	dma.local @!p0 [hbm:s0], s1  }
0xc3: {  	s0 =	simm.s32 @!p0 $0x15  }
0xc4: {  	_ =	swait.ge @!p0 [sflag:s0], s1  }
0xc5: {  	s1 =	ssub.s32 @!p0 $0x0, s1;
	[sflag:s0] =	ssyncset.done @!p0 $0x0  }
0xc6: {  	[sflag:s0] =	ssyncadd.s32 @!p0 s1  }
0xc7: {  	[bflag:$0x3] =	sbarrier.arrive $0xFFFF  }
0xc8: {  	_ =	shalt  }

</sc_bundles>
